<compile_context>
chip_gen: v7x
topology: tpu7x:2x2x1
jax: 0.10.2.dev20260603
libtpu: 0.0.44.dev20260713+nightly
codegen_flags: <defaults>
</compile_context>

<pallas_src>
import functools

import jax
import jax.numpy as jnp
from jax import lax
from jax.experimental import pallas as pl
from jax.experimental.pallas import tpu as pltpu
from jax.experimental.pallas import tpu_sc as plsc

PAD = 0.0

_B, _L = 16, 4096
_N = _B * _L
_NW = 32
_CHUNK = _N // _NW
_LANES = 16


def _sc_body(x_hbm, out_hbm, mask_hbm, x_v, m_v):
    wid = lax.axis_index("s") * 2 + lax.axis_index("c")
    base = wid * _CHUNK
    pltpu.sync_copy(x_hbm.at[pl.ds(base, _CHUNK)], x_v)
    absmask = jnp.full((_LANES,), 0x7FFFFFFF, dtype=jnp.int32)
    one = jnp.full((_LANES,), 1, dtype=jnp.int32)
    for i in range(_CHUNK // _LANES):
        iv = x_v[pl.ds(i * _LANES, _LANES)]
        t = lax.min(iv & absmask, one)
        m_v[pl.ds(i * _LANES, _LANES)] = one - t
    pltpu.sync_copy(x_v, out_hbm.at[pl.ds(base, _CHUNK)])
    pltpu.sync_copy(m_v, mask_hbm.at[pl.ds(base, _CHUNK)])


def _sc_call(x_flat_i32):
    mesh = plsc.VectorSubcoreMesh(core_axis_name="c", subcore_axis_name="s")
    k = functools.partial(
        pl.kernel,
        mesh=mesh,
        out_type=(
            jax.ShapeDtypeStruct((_N,), jnp.int32),
            jax.ShapeDtypeStruct((_N,), jnp.int32),
        ),
        scratch_types=[
            pltpu.VMEM((_CHUNK,), jnp.int32),
            pltpu.VMEM((_CHUNK,), jnp.int32),
        ],
    )(_sc_body)
    return k(x_flat_i32)


def kernel(tokens_batch):
    B, L = tokens_batch.shape
    xi = lax.bitcast_convert_type(tokens_batch, jnp.int32).reshape(-1)
    out_i32, m32 = _sc_call(xi)
    out = lax.bitcast_convert_type(out_i32.reshape(B, L), jnp.float32)
    mask = m32.astype(jnp.bool_).reshape(B, L)
    return (out, mask)

# --- scband reference (transcript-rebuilt; emitter-appended) ---
"""Pipeline reference for scband-custom-padding-27187142984089 (READ-ONLY COPY).

The authoritative reference and input builder live on the scoring server;
editing this copy changes nothing except your own understanding.
"""

import jax, jax.numpy as jnp
import numpy as np

PADDING_VALUE = 0.0

def setup_inputs(seed: int = 0) -> dict:
    key = jax.random.key(seed)
    tokens_batch = jax.random.normal(key, (16, 4096), dtype=jnp.float32)
    return {"tokens_batch": tokens_batch}

def reference(tokens_batch):
    # torch.nn.utils.rnn.pad_sequence over an iterable of equal-length rows
    # (iterating a [B, L] tensor yields B rows of length L) is an identity
    # stack: padded_batch == tokens_batch. No position exceeds max length,
    # so no padding values are inserted; the mask only flags elements that
    # happen to equal padding_value, matching the torch module exactly.
    padded_batch = tokens_batch
    padding_mask = padded_batch == PADDING_VALUE
    return (padded_batch, padding_mask)

if __name__ == "__main__":
    import jax
    _d = setup_inputs()
    print(jax.jit(kernel)(*tuple(_d.values())))

</pallas_src>

<mosaic_0001>
#map = affine_map<(d0, d1) -> (0)>
module attributes {stable_mosaic.version = 14 : i64} {
  func.func @_sc_body(%arg0: i32, %arg1: i32, %arg2: memref<65536xi32, #tpu.memory_space<hbm>>, %arg3: memref<65536xi32, #tpu.memory_space<hbm>>, %arg4: memref<65536xi32, #tpu.memory_space<hbm>>, %arg5: memref<2048xi32, #tpu.memory_space<vmem>>, %arg6: memref<2048xi32, #tpu.memory_space<vmem>>) attributes {dimension_semantics = [#tpu.dimension_semantics<core_parallel>, #tpu.dimension_semantics<subcore_parallel>], iteration_bounds = array<i64: 2, 16>, scalar_prefetch = 0 : i64, scratch_operands = 2 : i64, tpu.core_type = #tpu.core_type<sc_vector_subcore>, window_params = [{transform_indices = #map}, {transform_indices = #map}, {transform_indices = #map}]} {
    %mul3A = arith.constant 2 : i32
    %mul3A_0 = arith.muli %arg1, %mul3A : i32
    %add3A = arith.addi %mul3A_0, %arg0 : i32
    %mul3A_1 = arith.constant 2048 : i32
    %mul3A_2 = arith.muli %add3A, %mul3A_1 : i32
    "tpu.region"() ({
      %run_scoped3A = tpu.sem_alloc : memref<!tpu.dma_semaphore, #tpu.memory_space<semaphore_mem>>
      %dma_start3A = tpu.memref_slice %arg2[%mul3A_2] : memref<65536xi32, #tpu.memory_space<hbm>> -> memref<2048xi32, #tpu.memory_space<hbm>>
      %dma_start3A_1281 = tpu.memref_slice %arg2[%mul3A_2] : memref<65536xi32, #tpu.memory_space<hbm>> -> memref<2048xi32, #tpu.memory_space<hbm>>
      tpu.enqueue_dma source(%dma_start3A_1281 : memref<2048xi32, #tpu.memory_space<hbm>>) target(%arg5 : memref<2048xi32, #tpu.memory_space<vmem>>) target_semaphore(%run_scoped3A : memref<!tpu.dma_semaphore, #tpu.memory_space<semaphore_mem>>)
      %dma_wait3A = tpu.memref_slice %arg2[%mul3A_2] : memref<65536xi32, #tpu.memory_space<hbm>> -> memref<2048xi32, #tpu.memory_space<hbm>>
      %dma_wait3A_1282 = tpu.memref_slice %arg2[%mul3A_2] : memref<65536xi32, #tpu.memory_space<hbm>> -> memref<2048xi32, #tpu.memory_space<hbm>>
      tpu.wait_dma2 semaphore(%run_scoped3A : memref<!tpu.dma_semaphore, #tpu.memory_space<semaphore_mem>>) src(%dma_wait3A_1282 : memref<2048xi32, #tpu.memory_space<hbm>>) dst(%arg5 : memref<2048xi32, #tpu.memory_space<vmem>>)
      tpu.yield
    }) : () -> ()
    %broadcast_in_dim3A = arith.constant 2147483647 : i32
    %broadcast_in_dim3A_3 = vector.broadcast %broadcast_in_dim3A : i32 to vector<16xi32>
    %broadcast_in_dim3A_4 = arith.constant 1 : i32
    %broadcast_in_dim3A_5 = vector.broadcast %broadcast_in_dim3A_4 : i32 to vector<16xi32>
    %get3A = arith.constant 0 : index
    %get3A_6 = tpu.vector_load %arg5[%get3A] {strides = array<i32>} : memref<2048xi32, #tpu.memory_space<vmem>>, vector<16xi32>,
    %get3A_7 = vector.shape_cast %get3A_6 : vector<16xi32> to vector<16xi32>
    %and3A = arith.andi %get3A_7, %broadcast_in_dim3A_3 : vector<16xi32>
    %min3A = arith.minsi %and3A, %broadcast_in_dim3A_5 : vector<16xi32>
    %sub3A = arith.subi %broadcast_in_dim3A_5, %min3A : vector<16xi32>
    %swap3A = arith.constant 0 : index
    %swap3A_8 = tpu.vector_load %arg6[%swap3A] {strides = array<i32>} : memref<2048xi32, #tpu.memory_space<vmem>>, vector<16xi32>,
    %swap3A_9 = vector.shape_cast %swap3A_8 : vector<16xi32> to vector<16xi32>
    %swap3A_10 = vector.shape_cast %sub3A : vector<16xi32> to vector<16xi32>
    tpu.vector_store %arg6[%swap3A], %swap3A_10 {strides = array<i32>} : memref<2048xi32, #tpu.memory_space<vmem>>, vector<16xi32>,
    %get3A_11 = arith.constant 16 : index
    %get3A_12 = tpu.vector_load %arg5[%get3A_11] {strides = array<i32>} : memref<2048xi32, #tpu.memory_space<vmem>>, vector<16xi32>,
    %get3A_13 = vector.shape_cast %get3A_12 : vector<16xi32> to vector<16xi32>
    %and3A_14 = arith.andi %get3A_13, %broadcast_in_dim3A_3 : vector<16xi32>
    %min3A_15 = arith.minsi %and3A_14, %broadcast_in_dim3A_5 : vector<16xi32>
    %sub3A_16 = arith.subi %broadcast_in_dim3A_5, %min3A_15 : vector<16xi32>
    %swap3A_17 = arith.constant 16 : index
    %swap3A_18 = tpu.vector_load %arg6[%swap3A_17] {strides = array<i32>} : memref<2048xi32, #tpu.memory_space<vmem>>, vector<16xi32>,
    %swap3A_19 = vector.shape_cast %swap3A_18 : vector<16xi32> to vector<16xi32>
    %swap3A_20 = vector.shape_cast %sub3A_16 : vector<16xi32> to vector<16xi32>
    tpu.vector_store %arg6[%swap3A_17], %swap3A_20 {strides = array<i32>} : memref<2048xi32, #tpu.memory_space<vmem>>, vector<16xi32>,
    %get3A_21 = arith.constant 32 : index
    %get3A_22 = tpu.vector_load %arg5[%get3A_21] {strides = array<i32>} : memref<2048xi32, #tpu.memory_space<vmem>>, vector<16xi32>,
    %get3A_23 = vector.shape_cast %get3A_22 : vector<16xi32> to vector<16xi32>
    %and3A_24 = arith.andi %get3A_23, %broadcast_in_dim3A_3 : vector<16xi32>
    %min3A_25 = arith.minsi %and3A_24, %broadcast_in_dim3A_5 : vector<16xi32>
    %sub3A_26 = arith.subi %broadcast_in_dim3A_5, %min3A_25 : vector<16xi32>
    %swap3A_27 = arith.constant 32 : index
    %swap3A_28 = tpu.vector_load %arg6[%swap3A_27] {strides = array<i32>} : memref<2048xi32, #tpu.memory_space<vmem>>, vector<16xi32>,
    %swap3A_29 = vector.shape_cast %swap3A_28 : vector<16xi32> to vector<16xi32>
    %swap3A_30 = vector.shape_cast %sub3A_26 : vector<16xi32> to vector<16xi32>
    tpu.vector_store %arg6[%swap3A_27], %swap3A_30 {strides = array<i32>} : memref<2048xi32, #tpu.memory_space<vmem>>, vector<16xi32>,
    %get3A_31 = arith.constant 48 : index
    %get3A_32 = tpu.vector_load %arg5[%get3A_31] {strides = array<i32>} : memref<2048xi32, #tpu.memory_space<vmem>>, vector<16xi32>,
    %get3A_33 = vector.shape_cast %get3A_32 : vector<16xi32> to vector<16xi32>
    %and3A_34 = arith.andi %get3A_33, %broadcast_in_dim3A_3 : vector<16xi32>
    %min3A_35 = arith.minsi %and3A_34, %broadcast_in_dim3A_5 : vector<16xi32>
    %sub3A_36 = arith.subi %broadcast_in_dim3A_5, %min3A_35 : vector<16xi32>
    %swap3A_37 = arith.constant 48 : index
    %swap3A_38 = tpu.vector_load %arg6[%swap3A_37] {strides = array<i32>} : memref<2048xi32, #tpu.memory_space<vmem>>, vector<16xi32>,
    %swap3A_39 = vector.shape_cast %swap3A_38 : vector<16xi32> to vector<16xi32>
    %swap3A_40 = vector.shape_cast %sub3A_36 : vector<16xi32> to vector<16xi32>
    tpu.vector_store %arg6[%swap3A_37], %swap3A_40 {strides = array<i32>} : memref<2048xi32, #tpu.memory_space<vmem>>, vector<16xi32>,
    %get3A_41 = arith.constant 64 : index
    %get3A_42 = tpu.vector_load %arg5[%get3A_41] {strides = array<i32>} : memref<2048xi32, #tpu.memory_space<vmem>>, vector<16xi32>,
    %get3A_43 = vector.shape_cast %get3A_42 : vector<16xi32> to vector<16xi32>
    %and3A_44 = arith.andi %get3A_43, %broadcast_in_dim3A_3 : vector<16xi32>
    %min3A_45 = arith.minsi %and3A_44, %broadcast_in_dim3A_5 : vector<16xi32>
    %sub3A_46 = arith.subi %broadcast_in_dim3A_5, %min3A_45 : vector<16xi32>
    %swap3A_47 = arith.constant 64 : index
    %swap3A_48 = tpu.vector_load %arg6[%swap3A_47] {strides = array<i32>} : memref<2048xi32, #tpu.memory_space<vmem>>, vector<16xi32>,
    %swap3A_49 = vector.shape_cast %swap3A_48 : vector<16xi32> to vector<16xi32>
    %swap3A_50 = vector.shape_cast %sub3A_46 : vector<16xi32> to vector<16xi32>
    tpu.vector_store %arg6[%swap3A_47], %swap3A_50 {strides = array<i32>} : memref<2048xi32, #tpu.memory_space<vmem>>, vector<16xi32>,
    %get3A_51 = arith.constant 80 : index
    %get3A_52 = tpu.vector_load %arg5[%get3A_51] {strides = array<i32>} : memref<2048xi32, #tpu.memory_space<vmem>>, vector<16xi32>,
    %get3A_53 = vector.shape_cast %get3A_52 : vector<16xi32> to vector<16xi32>
    %and3A_54 = arith.andi %get3A_53, %broadcast_in_dim3A_3 : vector<16xi32>
    %min3A_55 = arith.minsi %and3A_54, %broadcast_in_dim3A_5 : vector<16xi32>
    %sub3A_56 = arith.subi %broadcast_in_dim3A_5, %min3A_55 : vector<16xi32>
    %swap3A_57 = arith.constant 80 : index
    %swap3A_58 = tpu.vector_load %arg6[%swap3A_57] {strides = array<i32>} : memref<2048xi32, #tpu.memory_space<vmem>>, vector<16xi32>,
    %swap3A_59 = vector.shape_cast %swap3A_58 : vector<16xi32> to vector<16xi32>
    %swap3A_60 = vector.shape_cast %sub3A_56 : vector<16xi32> to vector<16xi32>
    tpu.vector_store %arg6[%swap3A_57], %swap3A_60 {strides = array<i32>} : memref<2048xi32, #tpu.memory_space<vmem>>, vector<16xi32>,
    %get3A_61 = arith.constant 96 : index
    %get3A_62 = tpu.vector_load %arg5[%get3A_61] {strides = array<i32>} : memref<2048xi32, #tpu.memory_space<vmem>>, vector<16xi32>,
    %get3A_63 = vector.shape_cast %get3A_62 : vector<16xi32> to vector<16xi32>
    %and3A_64 = arith.andi %get3A_63, %broadcast_in_dim3A_3 : vector<16xi32>
    %min3A_65 = arith.minsi %and3A_64, %broadcast_in_dim3A_5 : vector<16xi32>
    %sub3A_66 = arith.subi %broadcast_in_dim3A_5, %min3A_65 : vector<16xi32>
    %swap3A_67 = arith.constant 96 : index
    %swap3A_68 = tpu.vector_load %arg6[%swap3A_67] {strides = array<i32>} : memref<2048xi32, #tpu.memory_space<vmem>>, vector<16xi32>,
    %swap3A_69 = vector.shape_cast %swap3A_68 : vector<16xi32> to vector<16xi32>
    %swap3A_70 = vector.shape_cast %sub3A_66 : vector<16xi32> to vector<16xi32>
    tpu.vector_store %arg6[%swap3A_67], %swap3A_70 {strides = array<i32>} : memref<2048xi32, #tpu.memory_space<vmem>>, vector<16xi32>,
    %get3A_71 = arith.constant 112 : index
    %get3A_72 = tpu.vector_load %arg5[%get3A_71] {strides = array<i32>} : memref<2048xi32, #tpu.memory_space<vmem>>, vector<16xi32>,
    %get3A_73 = vector.shape_cast %get3A_72 : vector<16xi32> to vector<16xi32>
    %and3A_74 = arith.andi %get3A_73, %broadcast_in_dim3A_3 : vector<16xi32>
    %min3A_75 = arith.minsi %and3A_74, %broadcast_in_dim3A_5 : vector<16xi32>
    %sub3A_76 = arith.subi %broadcast_in_dim3A_5, %min3A_75 : vector<16xi32>
    %swap3A_77 = arith.constant 112 : index
    %swap3A_78 = tpu.vector_load %arg6[%swap3A_77] {strides = array<i32>} : memref<2048xi32, #tpu.memory_space<vmem>>, vector<16xi32>,
    %swap3A_79 = vector.shape_cast %swap3A_78 : vector<16xi32> to vector<16xi32>
    %swap3A_80 = vector.shape_cast %sub3A_76 : vector<16xi32> to vector<16xi32>
    tpu.vector_store %arg6[%swap3A_77], %swap3A_80 {strides = array<i32>} : memref<2048xi32, #tpu.memory_space<vmem>>, vector<16xi32>,
    %get3A_81 = arith.constant 128 : index
    %get3A_82 = tpu.vector_load %arg5[%get3A_81] {strides = array<i32>} : memref<2048xi32, #tpu.memory_space<vmem>>, vector<16xi32>,
    %get3A_83 = vector.shape_cast %get3A_82 : vector<16xi32> to vector<16xi32>
    %and3A_84 = arith.andi %get3A_83, %broadcast_in_dim3A_3 : vector<16xi32>
    %min3A_85 = arith.minsi %and3A_84, %broadcast_in_dim3A_5 : vector<16xi32>
    %sub3A_86 = arith.subi %broadcast_in_dim3A_5, %min3A_85 : vector<16xi32>
    %swap3A_87 = arith.constant 128 : index
    %swap3A_88 = tpu.vector_load %arg6[%swap3A_87] {strides = array<i32>} : memref<2048xi32, #tpu.memory_space<vmem>>, vector<16xi32>,
    %swap3A_89 = vector.shape_cast %swap3A_88 : vector<16xi32> to vector<16xi32>
    %swap3A_90 = vector.shape_cast %sub3A_86 : vector<16xi32> to vector<16xi32>
    tpu.vector_store %arg6[%swap3A_87], %swap3A_90 {strides = array<i32>} : memref<2048xi32, #tpu.memory_space<vmem>>, vector<16xi32>,
    %get3A_91 = arith.constant 144 : index
    %get3A_92 = tpu.vector_load %arg5[%get3A_91] {strides = array<i32>} : memref<2048xi32, #tpu.memory_space<vmem>>, vector<16xi32>,
    %get3A_93 = vector.shape_cast %get3A_92 : vector<16xi32> to vector<16xi32>
    %and3A_94 = arith.andi %get3A_93, %broadcast_in_dim3A_3 : vector<16xi32>
    %min3A_95 = arith.minsi %and3A_94, %broadcast_in_dim3A_5 : vector<16xi32>
    %sub3A_96 = arith.subi %broadcast_in_dim3A_5, %min3A_95 : vector<16xi32>
    %swap3A_97 = arith.constant 144 : index
    %swap3A_98 = tpu.vector_load %arg6[%swap3A_97] {strides = array<i32>} : memref<2048xi32, #tpu.memory_space<vmem>>, vector<16xi32>,
    %swap3A_99 = vector.shape_cast %swap3A_98 : vector<16xi32> to vector<16xi32>
    %swap3A_100 = vector.shape_cast %sub3A_96 : vector<16xi32> to vector<16xi32>
    tpu.vector_store %arg6[%swap3A_97], %swap3A_100 {strides = array<i32>} : memref<2048xi32, #tpu.memory_space<vmem>>, vector<16xi32>,
    %get3A_101 = arith.constant 160 : index
    %get3A_102 = tpu.vector_load %arg5[%get3A_101] {strides = array<i32>} : memref<2048xi32, #tpu.memory_space<vmem>>, vector<16xi32>,
    %get3A_103 = vector.shape_cast %get3A_102 : vector<16xi32> to vector<16xi32>
    %and3A_104 = arith.andi %get3A_103, %broadcast_in_dim3A_3 : vector<16xi32>
    %min3A_105 = arith.minsi %and3A_104, %broadcast_in_dim3A_5 : vector<16xi32>
    %sub3A_106 = arith.subi %broadcast_in_dim3A_5, %min3A_105 : vector<16xi32>
    %swap3A_107 = arith.constant 160 : index
    %swap3A_108 = tpu.vector_load %arg6[%swap3A_107] {strides = array<i32>} : memref<2048xi32, #tpu.memory_space<vmem>>, vector<16xi32>,
    %swap3A_109 = vector.shape_cast %swap3A_108 : vector<16xi32> to vector<16xi32>
    %swap3A_110 = vector.shape_cast %sub3A_106 : vector<16xi32> to vector<16xi32>
    tpu.vector_store %arg6[%swap3A_107], %swap3A_110 {strides = array<i32>} : memref<2048xi32, #tpu.memory_space<vmem>>, vector<16xi32>,
    %get3A_111 = arith.constant 176 : index
    %get3A_112 = tpu.vector_load %arg5[%get3A_111] {strides = array<i32>} : memref<2048xi32, #tpu.memory_space<vmem>>, vector<16xi32>,
    %get3A_113 = vector.shape_cast %get3A_112 : vector<16xi32> to vector<16xi32>
    %and3A_114 = arith.andi %get3A_113, %broadcast_in_dim3A_3 : vector<16xi32>
    %min3A_115 = arith.minsi %and3A_114, %broadcast_in_dim3A_5 : vector<16xi32>
    %sub3A_116 = arith.subi %broadcast_in_dim3A_5, %min3A_115 : vector<16xi32>
    %swap3A_117 = arith.constant 176 : index
    %swap3A_118 = tpu.vector_load %arg6[%swap3A_117] {strides = array<i32>} : memref<2048xi32, #tpu.memory_space<vmem>>, vector<16xi32>,
    %swap3A_119 = vector.shape_cast %swap3A_118 : vector<16xi32> to vector<16xi32>
    %swap3A_120 = vector.shape_cast %sub3A_116 : vector<16xi32> to vector<16xi32>
    tpu.vector_store %arg6[%swap3A_117], %swap3A_120 {strides = array<i32>} : memref<2048xi32, #tpu.memory_space<vmem>>, vector<16xi32>,
    %get3A_121 = arith.constant 192 : index
    %get3A_122 = tpu.vector_load %arg5[%get3A_121] {strides = array<i32>} : memref<2048xi32, #tpu.memory_space<vmem>>, vector<16xi32>,
    %get3A_123 = vector.shape_cast %get3A_122 : vector<16xi32> to vector<16xi32>
    %and3A_124 = arith.andi %get3A_123, %broadcast_in_dim3A_3 : vector<16xi32>
    %min3A_125 = arith.minsi %and3A_124, %broadcast_in_dim3A_5 : vector<16xi32>
    %sub3A_126 = arith.subi %broadcast_in_dim3A_5, %min3A_125 : vector<16xi32>
    %swap3A_127 = arith.constant 192 : index
    %swap3A_128 = tpu.vector_load %arg6[%swap3A_127] {strides = array<i32>} : memref<2048xi32, #tpu.memory_space<vmem>>, vector<16xi32>,
    %swap3A_129 = vector.shape_cast %swap3A_128 : vector<16xi32> to vector<16xi32>
    %swap3A_130 = vector.shape_cast %sub3A_126 : vector<16xi32> to vector<16xi32>
    tpu.vector_store %arg6[%swap3A_127], %swap3A_130 {strides = array<i32>} : memref<2048xi32, #tpu.memory_space<vmem>>, vector<16xi32>,
    %get3A_131 = arith.constant 208 : index
    %get3A_132 = tpu.vector_load %arg5[%get3A_131] {strides = array<i32>} : memref<2048xi32, #tpu.memory_space<vmem>>, vector<16xi32>,
    %get3A_133 = vector.shape_cast %get3A_132 : vector<16xi32> to vector<16xi32>
    %and3A_134 = arith.andi %get3A_133, %broadcast_in_dim3A_3 : vector<16xi32>
    %min3A_135 = arith.minsi %and3A_134, %broadcast_in_dim3A_5 : vector<16xi32>
    %sub3A_136 = arith.subi %broadcast_in_dim3A_5, %min3A_135 : vector<16xi32>
    %swap3A_137 = arith.constant 208 : index
    %swap3A_138 = tpu.vector_load %arg6[%swap3A_137] {strides = array<i32>} : memref<2048xi32, #tpu.memory_space<vmem>>, vector<16xi32>,
    %swap3A_139 = vector.shape_cast %swap3A_138 : vector<16xi32> to vector<16xi32>
    %swap3A_140 = vector.shape_cast %sub3A_136 : vector<16xi32> to vector<16xi32>
    tpu.vector_store %arg6[%swap3A_137], %swap3A_140 {strides = array<i32>} : memref<2048xi32, #tpu.memory_space<vmem>>, vector<16xi32>,
    %get3A_141 = arith.constant 224 : index
    %get3A_142 = tpu.vector_load %arg5[%get3A_141] {strides = array<i32>} : memref<2048xi32, #tpu.memory_space<vmem>>, vector<16xi32>,
    %get3A_143 = vector.shape_cast %get3A_142 : vector<16xi32> to vector<16xi32>
    %and3A_144 = arith.andi %get3A_143, %broadcast_in_dim3A_3 : vector<16xi32>
    %min3A_145 = arith.minsi %and3A_144, %broadcast_in_dim3A_5 : vector<16xi32>
    %sub3A_146 = arith.subi %broadcast_in_dim3A_5, %min3A_145 : vector<16xi32>
    %swap3A_147 = arith.constant 224 : index
    %swap3A_148 = tpu.vector_load %arg6[%swap3A_147] {strides = array<i32>} : memref<2048xi32, #tpu.memory_space<vmem>>, vector<16xi32>,
    %swap3A_149 = vector.shape_cast %swap3A_148 : vector<16xi32> to vector<16xi32>
    %swap3A_150 = vector.shape_cast %sub3A_146 : vector<16xi32> to vector<16xi32>
    tpu.vector_store %arg6[%swap3A_147], %swap3A_150 {strides = array<i32>} : memref<2048xi32, #tpu.memory_space<vmem>>, vector<16xi32>,
    %get3A_151 = arith.constant 240 : index
    %get3A_152 = tpu.vector_load %arg5[%get3A_151] {strides = array<i32>} : memref<2048xi32, #tpu.memory_space<vmem>>, vector<16xi32>,
    %get3A_153 = vector.shape_cast %get3A_152 : vector<16xi32> to vector<16xi32>
    %and3A_154 = arith.andi %get3A_153, %broadcast_in_dim3A_3 : vector<16xi32>
    %min3A_155 = arith.minsi %and3A_154, %broadcast_in_dim3A_5 : vector<16xi32>
    %sub3A_156 = arith.subi %broadcast_in_dim3A_5, %min3A_155 : vector<16xi32>
    %swap3A_157 = arith.constant 240 : index
    %swap3A_158 = tpu.vector_load %arg6[%swap3A_157] {strides = array<i32>} : memref<2048xi32, #tpu.memory_space<vmem>>, vector<16xi32>,
    %swap3A_159 = vector.shape_cast %swap3A_158 : vector<16xi32> to vector<16xi32>
    %swap3A_160 = vector.shape_cast %sub3A_156 : vector<16xi32> to vector<16xi32>
    tpu.vector_store %arg6[%swap3A_157], %swap3A_160 {strides = array<i32>} : memref<2048xi32, #tpu.memory_space<vmem>>, vector<16xi32>,
    %get3A_161 = arith.constant 256 : index
    %get3A_162 = tpu.vector_load %arg5[%get3A_161] {strides = array<i32>} : memref<2048xi32, #tpu.memory_space<vmem>>, vector<16xi32>,
    %get3A_163 = vector.shape_cast %get3A_162 : vector<16xi32> to vector<16xi32>
    %and3A_164 = arith.andi %get3A_163, %broadcast_in_dim3A_3 : vector<16xi32>
    %min3A_165 = arith.minsi %and3A_164, %broadcast_in_dim3A_5 : vector<16xi32>
    %sub3A_166 = arith.subi %broadcast_in_dim3A_5, %min3A_165 : vector<16xi32>
    %swap3A_167 = arith.constant 256 : index
    %swap3A_168 = tpu.vector_load %arg6[%swap3A_167] {strides = array<i32>} : memref<2048xi32, #tpu.memory_space<vmem>>, vector<16xi32>,
    %swap3A_169 = vector.shape_cast %swap3A_168 : vector<16xi32> to vector<16xi32>
    %swap3A_170 = vector.shape_cast %sub3A_166 : vector<16xi32> to vector<16xi32>
    tpu.vector_store %arg6[%swap3A_167], %swap3A_170 {strides = array<i32>} : memref<2048xi32, #tpu.memory_space<vmem>>, vector<16xi32>,
    %get3A_171 = arith.constant 272 : index
    %get3A_172 = tpu.vector_load %arg5[%get3A_171] {strides = array<i32>} : memref<2048xi32, #tpu.memory_space<vmem>>, vector<16xi32>,
    %get3A_173 = vector.shape_cast %get3A_172 : vector<16xi32> to vector<16xi32>
    %and3A_174 = arith.andi %get3A_173, %broadcast_in_dim3A_3 : vector<16xi32>
    %min3A_175 = arith.minsi %and3A_174, %broadcast_in_dim3A_5 : vector<16xi32>
    %sub3A_176 = arith.subi %broadcast_in_dim3A_5, %min3A_175 : vector<16xi32>
    %swap3A_177 = arith.constant 272 : index
    %swap3A_178 = tpu.vector_load %arg6[%swap3A_177] {strides = array<i32>} : memref<2048xi32, #tpu.memory_space<vmem>>, vector<16xi32>,
    %swap3A_179 = vector.shape_cast %swap3A_178 : vector<16xi32> to vector<16xi32>
    %swap3A_180 = vector.shape_cast %sub3A_176 : vector<16xi32> to vector<16xi32>
    tpu.vector_store %arg6[%swap3A_177], %swap3A_180 {strides = array<i32>} : memref<2048xi32, #tpu.memory_space<vmem>>, vector<16xi32>,
    %get3A_181 = arith.constant 288 : index
    %get3A_182 = tpu.vector_load %arg5[%get3A_181] {strides = array<i32>} : memref<2048xi32, #tpu.memory_space<vmem>>, vector<16xi32>,
    %get3A_183 = vector.shape_cast %get3A_182 : vector<16xi32> to vector<16xi32>
    %and3A_184 = arith.andi %get3A_183, %broadcast_in_dim3A_3 : vector<16xi32>
    %min3A_185 = arith.minsi %and3A_184, %broadcast_in_dim3A_5 : vector<16xi32>
    %sub3A_186 = arith.subi %broadcast_in_dim3A_5, %min3A_185 : vector<16xi32>
    %swap3A_187 = arith.constant 288 : index
    %swap3A_188 = tpu.vector_load %arg6[%swap3A_187] {strides = array<i32>} : memref<2048xi32, #tpu.memory_space<vmem>>, vector<16xi32>,
    %swap3A_189 = vector.shape_cast %swap3A_188 : vector<16xi32> to vector<16xi32>
    %swap3A_190 = vector.shape_cast %sub3A_186 : vector<16xi32> to vector<16xi32>
    tpu.vector_store %arg6[%swap3A_187], %swap3A_190 {strides = array<i32>} : memref<2048xi32, #tpu.memory_space<vmem>>, vector<16xi32>,
    %get3A_191 = arith.constant 304 : index
    %get3A_192 = tpu.vector_load %arg5[%get3A_191] {strides = array<i32>} : memref<2048xi32, #tpu.memory_space<vmem>>, vector<16xi32>,
    %get3A_193 = vector.shape_cast %get3A_192 : vector<16xi32> to vector<16xi32>
    %and3A_194 = arith.andi %get3A_193, %broadcast_in_dim3A_3 : vector<16xi32>
    %min3A_195 = arith.minsi %and3A_194, %broadcast_in_dim3A_5 : vector<16xi32>
    %sub3A_196 = arith.subi %broadcast_in_dim3A_5, %min3A_195 : vector<16xi32>
    %swap3A_197 = arith.constant 304 : index
    %swap3A_198 = tpu.vector_load %arg6[%swap3A_197] {strides = array<i32>} : memref<2048xi32, #tpu.memory_space<vmem>>, vector<16xi32>,
    %swap3A_199 = vector.shape_cast %swap3A_198 : vector<16xi32> to vector<16xi32>
    %swap3A_200 = vector.shape_cast %sub3A_196 : vector<16xi32> to vector<16xi32>
    tpu.vector_store %arg6[%swap3A_197], %swap3A_200 {strides = array<i32>} : memref<2048xi32, #tpu.memory_space<vmem>>, vector<16xi32>,
    %get3A_201 = arith.constant 320 : index
    %get3A_202 = tpu.vector_load %arg5[%get3A_201] {strides = array<i32>} : memref<2048xi32, #tpu.memory_space<vmem>>, vector<16xi32>,
    %get3A_203 = vector.shape_cast %get3A_202 : vector<16xi32> to vector<16xi32>
    %and3A_204 = arith.andi %get3A_203, %broadcast_in_dim3A_3 : vector<16xi32>
    %min3A_205 = arith.minsi %and3A_204, %broadcast_in_dim3A_5 : vector<16xi32>
    %sub3A_206 = arith.subi %broadcast_in_dim3A_5, %min3A_205 : vector<16xi32>
    %swap3A_207 = arith.constant 320 : index
    %swap3A_208 = tpu.vector_load %arg6[%swap3A_207] {strides = array<i32>} : memref<2048xi32, #tpu.memory_space<vmem>>, vector<16xi32>,
    %swap3A_209 = vector.shape_cast %swap3A_208 : vector<16xi32> to vector<16xi32>
    %swap3A_210 = vector.shape_cast %sub3A_206 : vector<16xi32> to vector<16xi32>
    tpu.vector_store %arg6[%swap3A_207], %swap3A_210 {strides = array<i32>} : memref<2048xi32, #tpu.memory_space<vmem>>, vector<16xi32>,
    %get3A_211 = arith.constant 336 : index
    %get3A_212 = tpu.vector_load %arg5[%get3A_211] {strides = array<i32>} : memref<2048xi32, #tpu.memory_space<vmem>>, vector<16xi32>,
    %get3A_213 = vector.shape_cast %get3A_212 : vector<16xi32> to vector<16xi32>
    %and3A_214 = arith.andi %get3A_213, %broadcast_in_dim3A_3 : vector<16xi32>
    %min3A_215 = arith.minsi %and3A_214, %broadcast_in_dim3A_5 : vector<16xi32>
    %sub3A_216 = arith.subi %broadcast_in_dim3A_5, %min3A_215 : vector<16xi32>
    %swap3A_217 = arith.constant 336 : index
    %swap3A_218 = tpu.vector_load %arg6[%swap3A_217] {strides = array<i32>} : memref<2048xi32, #tpu.memory_space<vmem>>, vector<16xi32>,
    %swap3A_219 = vector.shape_cast %swap3A_218 : vector<16xi32> to vector<16xi32>
    %swap3A_220 = vector.shape_cast %sub3A_216 : vector<16xi32> to vector<16xi32>
    tpu.vector_store %arg6[%swap3A_217], %swap3A_220 {strides = array<i32>} : memref<2048xi32, #tpu.memory_space<vmem>>, vector<16xi32>,
    %get3A_221 = arith.constant 352 : index
    %get3A_222 = tpu.vector_load %arg5[%get3A_221] {strides = array<i32>} : memref<2048xi32, #tpu.memory_space<vmem>>, vector<16xi32>,
    %get3A_223 = vector.shape_cast %get3A_222 : vector<16xi32> to vector<16xi32>
    %and3A_224 = arith.andi %get3A_223, %broadcast_in_dim3A_3 : vector<16xi32>
    %min3A_225 = arith.minsi %and3A_224, %broadcast_in_dim3A_5 : vector<16xi32>
    %sub3A_226 = arith.subi %broadcast_in_dim3A_5, %min3A_225 : vector<16xi32>
    %swap3A_227 = arith.constant 352 : index
    %swap3A_228 = tpu.vector_load %arg6[%swap3A_227] {strides = array<i32>} : memref<2048xi32, #tpu.memory_space<vmem>>, vector<16xi32>,
    %swap3A_229 = vector.shape_cast %swap3A_228 : vector<16xi32> to vector<16xi32>
    %swap3A_230 = vector.shape_cast %sub3A_226 : vector<16xi32> to vector<16xi32>
    tpu.vector_store %arg6[%swap3A_227], %swap3A_230 {strides = array<i32>} : memref<2048xi32, #tpu.memory_space<vmem>>, vector<16xi32>,
    %get3A_231 = arith.constant 368 : index
    %get3A_232 = tpu.vector_load %arg5[%get3A_231] {strides = array<i32>} : memref<2048xi32, #tpu.memory_space<vmem>>, vector<16xi32>,
    %get3A_233 = vector.shape_cast %get3A_232 : vector<16xi32> to vector<16xi32>
    %and3A_234 = arith.andi %get3A_233, %broadcast_in_dim3A_3 : vector<16xi32>
    %min3A_235 = arith.minsi %and3A_234, %broadcast_in_dim3A_5 : vector<16xi32>
    %sub3A_236 = arith.subi %broadcast_in_dim3A_5, %min3A_235 : vector<16xi32>
    %swap3A_237 = arith.constant 368 : index
    %swap3A_238 = tpu.vector_load %arg6[%swap3A_237] {strides = array<i32>} : memref<2048xi32, #tpu.memory_space<vmem>>, vector<16xi32>,
    %swap3A_239 = vector.shape_cast %swap3A_238 : vector<16xi32> to vector<16xi32>
    %swap3A_240 = vector.shape_cast %sub3A_236 : vector<16xi32> to vector<16xi32>
    tpu.vector_store %arg6[%swap3A_237], %swap3A_240 {strides = array<i32>} : memref<2048xi32, #tpu.memory_space<vmem>>, vector<16xi32>,
    %get3A_241 = arith.constant 384 : index
    %get3A_242 = tpu.vector_load %arg5[%get3A_241] {strides = array<i32>} : memref<2048xi32, #tpu.memory_space<vmem>>, vector<16xi32>,
    %get3A_243 = vector.shape_cast %get3A_242 : vector<16xi32> to vector<16xi32>
    %and3A_244 = arith.andi %get3A_243, %broadcast_in_dim3A_3 : vector<16xi32>
    %min3A_245 = arith.minsi %and3A_244, %broadcast_in_dim3A_5 : vector<16xi32>
    %sub3A_246 = arith.subi %broadcast_in_dim3A_5, %min3A_245 : vector<16xi32>
    %swap3A_247 = arith.constant 384 : index
    %swap3A_248 = tpu.vector_load %arg6[%swap3A_247] {strides = array<i32>} : memref<2048xi32, #tpu.memory_space<vmem>>, vector<16xi32>,
    %swap3A_249 = vector.shape_cast %swap3A_248 : vector<16xi32> to vector<16xi32>
    %swap3A_250 = vector.shape_cast %sub3A_246 : vector<16xi32> to vector<16xi32>
    tpu.vector_store %arg6[%swap3A_247], %swap3A_250 {strides = array<i32>} : memref<2048xi32, #tpu.memory_space<vmem>>, vector<16xi32>,
    %get3A_251 = arith.constant 400 : index
    %get3A_252 = tpu.vector_load %arg5[%get3A_251] {strides = array<i32>} : memref<2048xi32, #tpu.memory_space<vmem>>, vector<16xi32>,
    %get3A_253 = vector.shape_cast %get3A_252 : vector<16xi32> to vector<16xi32>
    %and3A_254 = arith.andi %get3A_253, %broadcast_in_dim3A_3 : vector<16xi32>
    %min3A_255 = arith.minsi %and3A_254, %broadcast_in_dim3A_5 : vector<16xi32>
    %sub3A_256 = arith.subi %broadcast_in_dim3A_5, %min3A_255 : vector<16xi32>
    %swap3A_257 = arith.constant 400 : index
    %swap3A_258 = tpu.vector_load %arg6[%swap3A_257] {strides = array<i32>} : memref<2048xi32, #tpu.memory_space<vmem>>, vector<16xi32>,
    %swap3A_259 = vector.shape_cast %swap3A_258 : vector<16xi32> to vector<16xi32>
    %swap3A_260 = vector.shape_cast %sub3A_256 : vector<16xi32> to vector<16xi32>
    tpu.vector_store %arg6[%swap3A_257], %swap3A_260 {strides = array<i32>} : memref<2048xi32, #tpu.memory_space<vmem>>, vector<16xi32>,
    %get3A_261 = arith.constant 416 : index
    %get3A_262 = tpu.vector_load %arg5[%get3A_261] {strides = array<i32>} : memref<2048xi32, #tpu.memory_space<vmem>>, vector<16xi32>,
    %get3A_263 = vector.shape_cast %get3A_262 : vector<16xi32> to vector<16xi32>
    %and3A_264 = arith.andi %get3A_263, %broadcast_in_dim3A_3 : vector<16xi32>
    %min3A_265 = arith.minsi %and3A_264, %broadcast_in_dim3A_5 : vector<16xi32>
    %sub3A_266 = arith.subi %broadcast_in_dim3A_5, %min3A_265 : vector<16xi32>
    %swap3A_267 = arith.constant 416 : index
    %swap3A_268 = tpu.vector_load %arg6[%swap3A_267] {strides = array<i32>} : memref<2048xi32, #tpu.memory_space<vmem>>, vector<16xi32>,
    %swap3A_269 = vector.shape_cast %swap3A_268 : vector<16xi32> to vector<16xi32>
    %swap3A_270 = vector.shape_cast %sub3A_266 : vector<16xi32> to vector<16xi32>
    tpu.vector_store %arg6[%swap3A_267], %swap3A_270 {strides = array<i32>} : memref<2048xi32, #tpu.memory_space<vmem>>, vector<16xi32>,
    %get3A_271 = arith.constant 432 : index
    %get3A_272 = tpu.vector_load %arg5[%get3A_271] {strides = array<i32>} : memref<2048xi32, #tpu.memory_space<vmem>>, vector<16xi32>,
    %get3A_273 = vector.shape_cast %get3A_272 : vector<16xi32> to vector<16xi32>
    %and3A_274 = arith.andi %get3A_273, %broadcast_in_dim3A_3 : vector<16xi32>
    %min3A_275 = arith.minsi %and3A_274, %broadcast_in_dim3A_5 : vector<16xi32>
    %sub3A_276 = arith.subi %broadcast_in_dim3A_5, %min3A_275 : vector<16xi32>
    %swap3A_277 = arith.constant 432 : index
    %swap3A_278 = tpu.vector_load %arg6[%swap3A_277] {strides = array<i32>} : memref<2048xi32, #tpu.memory_space<vmem>>, vector<16xi32>,
    %swap3A_279 = vector.shape_cast %swap3A_278 : vector<16xi32> to vector<16xi32>
    %swap3A_280 = vector.shape_cast %sub3A_276 : vector<16xi32> to vector<16xi32>
    tpu.vector_store %arg6[%swap3A_277], %swap3A_280 {strides = array<i32>} : memref<2048xi32, #tpu.memory_space<vmem>>, vector<16xi32>,
    %get3A_281 = arith.constant 448 : index
    %get3A_282 = tpu.vector_load %arg5[%get3A_281] {strides = array<i32>} : memref<2048xi32, #tpu.memory_space<vmem>>, vector<16xi32>,
    %get3A_283 = vector.shape_cast %get3A_282 : vector<16xi32> to vector<16xi32>
    %and3A_284 = arith.andi %get3A_283, %broadcast_in_dim3A_3 : vector<16xi32>
    %min3A_285 = arith.minsi %and3A_284, %broadcast_in_dim3A_5 : vector<16xi32>
    %sub3A_286 = arith.subi %broadcast_in_dim3A_5, %min3A_285 : vector<16xi32>
    %swap3A_287 = arith.constant 448 : index
    %swap3A_288 = tpu.vector_load %arg6[%swap3A_287] {strides = array<i32>} : memref<2048xi32, #tpu.memory_space<vmem>>, vector<16xi32>,
    %swap3A_289 = vector.shape_cast %swap3A_288 : vector<16xi32> to vector<16xi32>
    %swap3A_290 = vector.shape_cast %sub3A_286 : vector<16xi32> to vector<16xi32>
    tpu.vector_store %arg6[%swap3A_287], %swap3A_290 {strides = array<i32>} : memref<2048xi32, #tpu.memory_space<vmem>>, vector<16xi32>,
    %get3A_291 = arith.constant 464 : index
    %get3A_292 = tpu.vector_load %arg5[%get3A_291] {strides = array<i32>} : memref<2048xi32, #tpu.memory_space<vmem>>, vector<16xi32>,
    %get3A_293 = vector.shape_cast %get3A_292 : vector<16xi32> to vector<16xi32>
    %and3A_294 = arith.andi %get3A_293, %broadcast_in_dim3A_3 : vector<16xi32>
    %min3A_295 = arith.minsi %and3A_294, %broadcast_in_dim3A_5 : vector<16xi32>
    %sub3A_296 = arith.subi %broadcast_in_dim3A_5, %min3A_295 : vector<16xi32>
    %swap3A_297 = arith.constant 464 : index
    %swap3A_298 = tpu.vector_load %arg6[%swap3A_297] {strides = array<i32>} : memref<2048xi32, #tpu.memory_space<vmem>>, vector<16xi32>,
    %swap3A_299 = vector.shape_cast %swap3A_298 : vector<16xi32> to vector<16xi32>
    %swap3A_300 = vector.shape_cast %sub3A_296 : vector<16xi32> to vector<16xi32>
    tpu.vector_store %arg6[%swap3A_297], %swap3A_300 {strides = array<i32>} : memref<2048xi32, #tpu.memory_space<vmem>>, vector<16xi32>,
    %get3A_301 = arith.constant 480 : index
    %get3A_302 = tpu.vector_load %arg5[%get3A_301] {strides = array<i32>} : memref<2048xi32, #tpu.memory_space<vmem>>, vector<16xi32>,
    %get3A_303 = vector.shape_cast %get3A_302 : vector<16xi32> to vector<16xi32>
    %and3A_304 = arith.andi %get3A_303, %broadcast_in_dim3A_3 : vector<16xi32>
    %min3A_305 = arith.minsi %and3A_304, %broadcast_in_dim3A_5 : vector<16xi32>
    %sub3A_306 = arith.subi %broadcast_in_dim3A_5, %min3A_305 : vector<16xi32>
    %swap3A_307 = arith.constant 480 : index
    %swap3A_308 = tpu.vector_load %arg6[%swap3A_307] {strides = array<i32>} : memref<2048xi32, #tpu.memory_space<vmem>>, vector<16xi32>,
    %swap3A_309 = vector.shape_cast %swap3A_308 : vector<16xi32> to vector<16xi32>
    %swap3A_310 = vector.shape_cast %sub3A_306 : vector<16xi32> to vector<16xi32>
    tpu.vector_store %arg6[%swap3A_307], %swap3A_310 {strides = array<i32>} : memref<2048xi32, #tpu.memory_space<vmem>>, vector<16xi32>,
    %get3A_311 = arith.constant 496 : index
    %get3A_312 = tpu.vector_load %arg5[%get3A_311] {strides = array<i32>} : memref<2048xi32, #tpu.memory_space<vmem>>, vector<16xi32>,
    %get3A_313 = vector.shape_cast %get3A_312 : vector<16xi32> to vector<16xi32>
    %and3A_314 = arith.andi %get3A_313, %broadcast_in_dim3A_3 : vector<16xi32>
    %min3A_315 = arith.minsi %and3A_314, %broadcast_in_dim3A_5 : vector<16xi32>
    %sub3A_316 = arith.subi %broadcast_in_dim3A_5, %min3A_315 : vector<16xi32>
    %swap3A_317 = arith.constant 496 : index
    %swap3A_318 = tpu.vector_load %arg6[%swap3A_317] {strides = array<i32>} : memref<2048xi32, #tpu.memory_space<vmem>>, vector<16xi32>,
    %swap3A_319 = vector.shape_cast %swap3A_318 : vector<16xi32> to vector<16xi32>
    %swap3A_320 = vector.shape_cast %sub3A_316 : vector<16xi32> to vector<16xi32>
    tpu.vector_store %arg6[%swap3A_317], %swap3A_320 {strides = array<i32>} : memref<2048xi32, #tpu.memory_space<vmem>>, vector<16xi32>,
    %get3A_321 = arith.constant 512 : index
    %get3A_322 = tpu.vector_load %arg5[%get3A_321] {strides = array<i32>} : memref<2048xi32, #tpu.memory_space<vmem>>, vector<16xi32>,
    %get3A_323 = vector.shape_cast %get3A_322 : vector<16xi32> to vector<16xi32>
    %and3A_324 = arith.andi %get3A_323, %broadcast_in_dim3A_3 : vector<16xi32>
    %min3A_325 = arith.minsi %and3A_324, %broadcast_in_dim3A_5 : vector<16xi32>
    %sub3A_326 = arith.subi %broadcast_in_dim3A_5, %min3A_325 : vector<16xi32>
    %swap3A_327 = arith.constant 512 : index
    %swap3A_328 = tpu.vector_load %arg6[%swap3A_327] {strides = array<i32>} : memref<2048xi32, #tpu.memory_space<vmem>>, vector<16xi32>,
    %swap3A_329 = vector.shape_cast %swap3A_328 : vector<16xi32> to vector<16xi32>
    %swap3A_330 = vector.shape_cast %sub3A_326 : vector<16xi32> to vector<16xi32>
    tpu.vector_store %arg6[%swap3A_327], %swap3A_330 {strides = array<i32>} : memref<2048xi32, #tpu.memory_space<vmem>>, vector<16xi32>,
    %get3A_331 = arith.constant 528 : index
    %get3A_332 = tpu.vector_load %arg5[%get3A_331] {strides = array<i32>} : memref<2048xi32, #tpu.memory_space<vmem>>, vector<16xi32>,
    %get3A_333 = vector.shape_cast %get3A_332 : vector<16xi32> to vector<16xi32>
    %and3A_334 = arith.andi %get3A_333, %broadcast_in_dim3A_3 : vector<16xi32>
    %min3A_335 = arith.minsi %and3A_334, %broadcast_in_dim3A_5 : vector<16xi32>
    %sub3A_336 = arith.subi %broadcast_in_dim3A_5, %min3A_335 : vector<16xi32>
    %swap3A_337 = arith.constant 528 : index
    %swap3A_338 = tpu.vector_load %arg6[%swap3A_337] {strides = array<i32>} : memref<2048xi32, #tpu.memory_space<vmem>>, vector<16xi32>,
    %swap3A_339 = vector.shape_cast %swap3A_338 : vector<16xi32> to vector<16xi32>
    %swap3A_340 = vector.shape_cast %sub3A_336 : vector<16xi32> to vector<16xi32>
    tpu.vector_store %arg6[%swap3A_337], %swap3A_340 {strides = array<i32>} : memref<2048xi32, #tpu.memory_space<vmem>>, vector<16xi32>,
    %get3A_341 = arith.constant 544 : index
    %get3A_342 = tpu.vector_load %arg5[%get3A_341] {strides = array<i32>} : memref<2048xi32, #tpu.memory_space<vmem>>, vector<16xi32>,
    %get3A_343 = vector.shape_cast %get3A_342 : vector<16xi32> to vector<16xi32>
    %and3A_344 = arith.andi %get3A_343, %broadcast_in_dim3A_3 : vector<16xi32>
    %min3A_345 = arith.minsi %and3A_344, %broadcast_in_dim3A_5 : vector<16xi32>
    %sub3A_346 = arith.subi %broadcast_in_dim3A_5, %min3A_345 : vector<16xi32>
    %swap3A_347 = arith.constant 544 : index
    %swap3A_348 = tpu.vector_load %arg6[%swap3A_347] {strides = array<i32>} : memref<2048xi32, #tpu.memory_space<vmem>>, vector<16xi32>,
    %swap3A_349 = vector.shape_cast %swap3A_348 : vector<16xi32> to vector<16xi32>
    %swap3A_350 = vector.shape_cast %sub3A_346 : vector<16xi32> to vector<16xi32>
    tpu.vector_store %arg6[%swap3A_347], %swap3A_350 {strides = array<i32>} : memref<2048xi32, #tpu.memory_space<vmem>>, vector<16xi32>,
    %get3A_351 = arith.constant 560 : index
    %get3A_352 = tpu.vector_load %arg5[%get3A_351] {strides = array<i32>} : memref<2048xi32, #tpu.memory_space<vmem>>, vector<16xi32>,
    %get3A_353 = vector.shape_cast %get3A_352 : vector<16xi32> to vector<16xi32>
    %and3A_354 = arith.andi %get3A_353, %broadcast_in_dim3A_3 : vector<16xi32>
    %min3A_355 = arith.minsi %and3A_354, %broadcast_in_dim3A_5 : vector<16xi32>
    %sub3A_356 = arith.subi %broadcast_in_dim3A_5, %min3A_355 : vector<16xi32>
    %swap3A_357 = arith.constant 560 : index
    %swap3A_358 = tpu.vector_load %arg6[%swap3A_357] {strides = array<i32>} : memref<2048xi32, #tpu.memory_space<vmem>>, vector<16xi32>,
    %swap3A_359 = vector.shape_cast %swap3A_358 : vector<16xi32> to vector<16xi32>
    %swap3A_360 = vector.shape_cast %sub3A_356 : vector<16xi32> to vector<16xi32>
    tpu.vector_store %arg6[%swap3A_357], %swap3A_360 {strides = array<i32>} : memref<2048xi32, #tpu.memory_space<vmem>>, vector<16xi32>,
    %get3A_361 = arith.constant 576 : index
    %get3A_362 = tpu.vector_load %arg5[%get3A_361] {strides = array<i32>} : memref<2048xi32, #tpu.memory_space<vmem>>, vector<16xi32>,
    %get3A_363 = vector.shape_cast %get3A_362 : vector<16xi32> to vector<16xi32>
    %and3A_364 = arith.andi %get3A_363, %broadcast_in_dim3A_3 : vector<16xi32>
    %min3A_365 = arith.minsi %and3A_364, %broadcast_in_dim3A_5 : vector<16xi32>
    %sub3A_366 = arith.subi %broadcast_in_dim3A_5, %min3A_365 : vector<16xi32>
    %swap3A_367 = arith.constant 576 : index
    %swap3A_368 = tpu.vector_load %arg6[%swap3A_367] {strides = array<i32>} : memref<2048xi32, #tpu.memory_space<vmem>>, vector<16xi32>,
    %swap3A_369 = vector.shape_cast %swap3A_368 : vector<16xi32> to vector<16xi32>
    %swap3A_370 = vector.shape_cast %sub3A_366 : vector<16xi32> to vector<16xi32>
    tpu.vector_store %arg6[%swap3A_367], %swap3A_370 {strides = array<i32>} : memref<2048xi32, #tpu.memory_space<vmem>>, vector<16xi32>,
    %get3A_371 = arith.constant 592 : index
    %get3A_372 = tpu.vector_load %arg5[%get3A_371] {strides = array<i32>} : memref<2048xi32, #tpu.memory_space<vmem>>, vector<16xi32>,
    %get3A_373 = vector.shape_cast %get3A_372 : vector<16xi32> to vector<16xi32>
    %and3A_374 = arith.andi %get3A_373, %broadcast_in_dim3A_3 : vector<16xi32>
    %min3A_375 = arith.minsi %and3A_374, %broadcast_in_dim3A_5 : vector<16xi32>
    %sub3A_376 = arith.subi %broadcast_in_dim3A_5, %min3A_375 : vector<16xi32>
    %swap3A_377 = arith.constant 592 : index
    %swap3A_378 = tpu.vector_load %arg6[%swap3A_377] {strides = array<i32>} : memref<2048xi32, #tpu.memory_space<vmem>>, vector<16xi32>,
    %swap3A_379 = vector.shape_cast %swap3A_378 : vector<16xi32> to vector<16xi32>
    %swap3A_380 = vector.shape_cast %sub3A_376 : vector<16xi32> to vector<16xi32>
    tpu.vector_store %arg6[%swap3A_377], %swap3A_380 {strides = array<i32>} : memref<2048xi32, #tpu.memory_space<vmem>>, vector<16xi32>,
    %get3A_381 = arith.constant 608 : index
    %get3A_382 = tpu.vector_load %arg5[%get3A_381] {strides = array<i32>} : memref<2048xi32, #tpu.memory_space<vmem>>, vector<16xi32>,
    %get3A_383 = vector.shape_cast %get3A_382 : vector<16xi32> to vector<16xi32>
    %and3A_384 = arith.andi %get3A_383, %broadcast_in_dim3A_3 : vector<16xi32>
    %min3A_385 = arith.minsi %and3A_384, %broadcast_in_dim3A_5 : vector<16xi32>
    %sub3A_386 = arith.subi %broadcast_in_dim3A_5, %min3A_385 : vector<16xi32>
    %swap3A_387 = arith.constant 608 : index
    %swap3A_388 = tpu.vector_load %arg6[%swap3A_387] {strides = array<i32>} : memref<2048xi32, #tpu.memory_space<vmem>>, vector<16xi32>,
    %swap3A_389 = vector.shape_cast %swap3A_388 : vector<16xi32> to vector<16xi32>
    %swap3A_390 = vector.shape_cast %sub3A_386 : vector<16xi32> to vector<16xi32>
    tpu.vector_store %arg6[%swap3A_387], %swap3A_390 {strides = array<i32>} : memref<2048xi32, #tpu.memory_space<vmem>>, vector<16xi32>,
    %get3A_391 = arith.constant 624 : index
    %get3A_392 = tpu.vector_load %arg5[%get3A_391] {strides = array<i32>} : memref<2048xi32, #tpu.memory_space<vmem>>, vector<16xi32>,
    %get3A_393 = vector.shape_cast %get3A_392 : vector<16xi32> to vector<16xi32>
    %and3A_394 = arith.andi %get3A_393, %broadcast_in_dim3A_3 : vector<16xi32>
    %min3A_395 = arith.minsi %and3A_394, %broadcast_in_dim3A_5 : vector<16xi32>
    %sub3A_396 = arith.subi %broadcast_in_dim3A_5, %min3A_395 : vector<16xi32>
    %swap3A_397 = arith.constant 624 : index
    %swap3A_398 = tpu.vector_load %arg6[%swap3A_397] {strides = array<i32>} : memref<2048xi32, #tpu.memory_space<vmem>>, vector<16xi32>,
    %swap3A_399 = vector.shape_cast %swap3A_398 : vector<16xi32> to vector<16xi32>
    %swap3A_400 = vector.shape_cast %sub3A_396 : vector<16xi32> to vector<16xi32>
    tpu.vector_store %arg6[%swap3A_397], %swap3A_400 {strides = array<i32>} : memref<2048xi32, #tpu.memory_space<vmem>>, vector<16xi32>,
    %get3A_401 = arith.constant 640 : index
    %get3A_402 = tpu.vector_load %arg5[%get3A_401] {strides = array<i32>} : memref<2048xi32, #tpu.memory_space<vmem>>, vector<16xi32>,
    %get3A_403 = vector.shape_cast %get3A_402 : vector<16xi32> to vector<16xi32>
    %and3A_404 = arith.andi %get3A_403, %broadcast_in_dim3A_3 : vector<16xi32>
    %min3A_405 = arith.minsi %and3A_404, %broadcast_in_dim3A_5 : vector<16xi32>
    %sub3A_406 = arith.subi %broadcast_in_dim3A_5, %min3A_405 : vector<16xi32>
    %swap3A_407 = arith.constant 640 : index
    %swap3A_408 = tpu.vector_load %arg6[%swap3A_407] {strides = array<i32>} : memref<2048xi32, #tpu.memory_space<vmem>>, vector<16xi32>,
    %swap3A_409 = vector.shape_cast %swap3A_408 : vector<16xi32> to vector<16xi32>
    %swap3A_410 = vector.shape_cast %sub3A_406 : vector<16xi32> to vector<16xi32>
    tpu.vector_store %arg6[%swap3A_407], %swap3A_410 {strides = array<i32>} : memref<2048xi32, #tpu.memory_space<vmem>>, vector<16xi32>,
    %get3A_411 = arith.constant 656 : index
    %get3A_412 = tpu.vector_load %arg5[%get3A_411] {strides = array<i32>} : memref<2048xi32, #tpu.memory_space<vmem>>, vector<16xi32>,
    %get3A_413 = vector.shape_cast %get3A_412 : vector<16xi32> to vector<16xi32>
    %and3A_414 = arith.andi %get3A_413, %broadcast_in_dim3A_3 : vector<16xi32>
    %min3A_415 = arith.minsi %and3A_414, %broadcast_in_dim3A_5 : vector<16xi32>
    %sub3A_416 = arith.subi %broadcast_in_dim3A_5, %min3A_415 : vector<16xi32>
    %swap3A_417 = arith.constant 656 : index
    %swap3A_418 = tpu.vector_load %arg6[%swap3A_417] {strides = array<i32>} : memref<2048xi32, #tpu.memory_space<vmem>>, vector<16xi32>,
    %swap3A_419 = vector.shape_cast %swap3A_418 : vector<16xi32> to vector<16xi32>
    %swap3A_420 = vector.shape_cast %sub3A_416 : vector<16xi32> to vector<16xi32>
    tpu.vector_store %arg6[%swap3A_417], %swap3A_420 {strides = array<i32>} : memref<2048xi32, #tpu.memory_space<vmem>>, vector<16xi32>,
    %get3A_421 = arith.constant 672 : index
    %get3A_422 = tpu.vector_load %arg5[%get3A_421] {strides = array<i32>} : memref<2048xi32, #tpu.memory_space<vmem>>, vector<16xi32>,
    %get3A_423 = vector.shape_cast %get3A_422 : vector<16xi32> to vector<16xi32>
    %and3A_424 = arith.andi %get3A_423, %broadcast_in_dim3A_3 : vector<16xi32>
    %min3A_425 = arith.minsi %and3A_424, %broadcast_in_dim3A_5 : vector<16xi32>
    %sub3A_426 = arith.subi %broadcast_in_dim3A_5, %min3A_425 : vector<16xi32>
    %swap3A_427 = arith.constant 672 : index
    %swap3A_428 = tpu.vector_load %arg6[%swap3A_427] {strides = array<i32>} : memref<2048xi32, #tpu.memory_space<vmem>>, vector<16xi32>,
    %swap3A_429 = vector.shape_cast %swap3A_428 : vector<16xi32> to vector<16xi32>
    %swap3A_430 = vector.shape_cast %sub3A_426 : vector<16xi32> to vector<16xi32>
    tpu.vector_store %arg6[%swap3A_427], %swap3A_430 {strides = array<i32>} : memref<2048xi32, #tpu.memory_space<vmem>>, vector<16xi32>,
    %get3A_431 = arith.constant 688 : index
    %get3A_432 = tpu.vector_load %arg5[%get3A_431] {strides = array<i32>} : memref<2048xi32, #tpu.memory_space<vmem>>, vector<16xi32>,
    %get3A_433 = vector.shape_cast %get3A_432 : vector<16xi32> to vector<16xi32>
    %and3A_434 = arith.andi %get3A_433, %broadcast_in_dim3A_3 : vector<16xi32>
    %min3A_435 = arith.minsi %and3A_434, %broadcast_in_dim3A_5 : vector<16xi32>
    %sub3A_436 = arith.subi %broadcast_in_dim3A_5, %min3A_435 : vector<16xi32>
    %swap3A_437 = arith.constant 688 : index
    %swap3A_438 = tpu.vector_load %arg6[%swap3A_437] {strides = array<i32>} : memref<2048xi32, #tpu.memory_space<vmem>>, vector<16xi32>,
    %swap3A_439 = vector.shape_cast %swap3A_438 : vector<16xi32> to vector<16xi32>
    %swap3A_440 = vector.shape_cast %sub3A_436 : vector<16xi32> to vector<16xi32>
    tpu.vector_store %arg6[%swap3A_437], %swap3A_440 {strides = array<i32>} : memref<2048xi32, #tpu.memory_space<vmem>>, vector<16xi32>,
    %get3A_441 = arith.constant 704 : index
    %get3A_442 = tpu.vector_load %arg5[%get3A_441] {strides = array<i32>} : memref<2048xi32, #tpu.memory_space<vmem>>, vector<16xi32>,
    %get3A_443 = vector.shape_cast %get3A_442 : vector<16xi32> to vector<16xi32>
    %and3A_444 = arith.andi %get3A_443, %broadcast_in_dim3A_3 : vector<16xi32>
    %min3A_445 = arith.minsi %and3A_444, %broadcast_in_dim3A_5 : vector<16xi32>
    %sub3A_446 = arith.subi %broadcast_in_dim3A_5, %min3A_445 : vector<16xi32>
    %swap3A_447 = arith.constant 704 : index
    %swap3A_448 = tpu.vector_load %arg6[%swap3A_447] {strides = array<i32>} : memref<2048xi32, #tpu.memory_space<vmem>>, vector<16xi32>,
    %swap3A_449 = vector.shape_cast %swap3A_448 : vector<16xi32> to vector<16xi32>
    %swap3A_450 = vector.shape_cast %sub3A_446 : vector<16xi32> to vector<16xi32>
    tpu.vector_store %arg6[%swap3A_447], %swap3A_450 {strides = array<i32>} : memref<2048xi32, #tpu.memory_space<vmem>>, vector<16xi32>,
    %get3A_451 = arith.constant 720 : index
    %get3A_452 = tpu.vector_load %arg5[%get3A_451] {strides = array<i32>} : memref<2048xi32, #tpu.memory_space<vmem>>, vector<16xi32>,
    %get3A_453 = vector.shape_cast %get3A_452 : vector<16xi32> to vector<16xi32>
    %and3A_454 = arith.andi %get3A_453, %broadcast_in_dim3A_3 : vector<16xi32>
    %min3A_455 = arith.minsi %and3A_454, %broadcast_in_dim3A_5 : vector<16xi32>
    %sub3A_456 = arith.subi %broadcast_in_dim3A_5, %min3A_455 : vector<16xi32>
    %swap3A_457 = arith.constant 720 : index
    %swap3A_458 = tpu.vector_load %arg6[%swap3A_457] {strides = array<i32>} : memref<2048xi32, #tpu.memory_space<vmem>>, vector<16xi32>,
    %swap3A_459 = vector.shape_cast %swap3A_458 : vector<16xi32> to vector<16xi32>
    %swap3A_460 = vector.shape_cast %sub3A_456 : vector<16xi32> to vector<16xi32>
    tpu.vector_store %arg6[%swap3A_457], %swap3A_460 {strides = array<i32>} : memref<2048xi32, #tpu.memory_space<vmem>>, vector<16xi32>,
    %get3A_461 = arith.constant 736 : index
    %get3A_462 = tpu.vector_load %arg5[%get3A_461] {strides = array<i32>} : memref<2048xi32, #tpu.memory_space<vmem>>, vector<16xi32>,
    %get3A_463 = vector.shape_cast %get3A_462 : vector<16xi32> to vector<16xi32>
    %and3A_464 = arith.andi %get3A_463, %broadcast_in_dim3A_3 : vector<16xi32>
    %min3A_465 = arith.minsi %and3A_464, %broadcast_in_dim3A_5 : vector<16xi32>
    %sub3A_466 = arith.subi %broadcast_in_dim3A_5, %min3A_465 : vector<16xi32>
    %swap3A_467 = arith.constant 736 : index
    %swap3A_468 = tpu.vector_load %arg6[%swap3A_467] {strides = array<i32>} : memref<2048xi32, #tpu.memory_space<vmem>>, vector<16xi32>,
    %swap3A_469 = vector.shape_cast %swap3A_468 : vector<16xi32> to vector<16xi32>
    %swap3A_470 = vector.shape_cast %sub3A_466 : vector<16xi32> to vector<16xi32>
    tpu.vector_store %arg6[%swap3A_467], %swap3A_470 {strides = array<i32>} : memref<2048xi32, #tpu.memory_space<vmem>>, vector<16xi32>,
    %get3A_471 = arith.constant 752 : index
    %get3A_472 = tpu.vector_load %arg5[%get3A_471] {strides = array<i32>} : memref<2048xi32, #tpu.memory_space<vmem>>, vector<16xi32>,
    %get3A_473 = vector.shape_cast %get3A_472 : vector<16xi32> to vector<16xi32>
    %and3A_474 = arith.andi %get3A_473, %broadcast_in_dim3A_3 : vector<16xi32>
    %min3A_475 = arith.minsi %and3A_474, %broadcast_in_dim3A_5 : vector<16xi32>
    %sub3A_476 = arith.subi %broadcast_in_dim3A_5, %min3A_475 : vector<16xi32>
    %swap3A_477 = arith.constant 752 : index
    %swap3A_478 = tpu.vector_load %arg6[%swap3A_477] {strides = array<i32>} : memref<2048xi32, #tpu.memory_space<vmem>>, vector<16xi32>,
    %swap3A_479 = vector.shape_cast %swap3A_478 : vector<16xi32> to vector<16xi32>
    %swap3A_480 = vector.shape_cast %sub3A_476 : vector<16xi32> to vector<16xi32>
    tpu.vector_store %arg6[%swap3A_477], %swap3A_480 {strides = array<i32>} : memref<2048xi32, #tpu.memory_space<vmem>>, vector<16xi32>,
    %get3A_481 = arith.constant 768 : index
    %get3A_482 = tpu.vector_load %arg5[%get3A_481] {strides = array<i32>} : memref<2048xi32, #tpu.memory_space<vmem>>, vector<16xi32>,
    %get3A_483 = vector.shape_cast %get3A_482 : vector<16xi32> to vector<16xi32>
    %and3A_484 = arith.andi %get3A_483, %broadcast_in_dim3A_3 : vector<16xi32>
    %min3A_485 = arith.minsi %and3A_484, %broadcast_in_dim3A_5 : vector<16xi32>
    %sub3A_486 = arith.subi %broadcast_in_dim3A_5, %min3A_485 : vector<16xi32>
    %swap3A_487 = arith.constant 768 : index
    %swap3A_488 = tpu.vector_load %arg6[%swap3A_487] {strides = array<i32>} : memref<2048xi32, #tpu.memory_space<vmem>>, vector<16xi32>,
    %swap3A_489 = vector.shape_cast %swap3A_488 : vector<16xi32> to vector<16xi32>
    %swap3A_490 = vector.shape_cast %sub3A_486 : vector<16xi32> to vector<16xi32>
    tpu.vector_store %arg6[%swap3A_487], %swap3A_490 {strides = array<i32>} : memref<2048xi32, #tpu.memory_space<vmem>>, vector<16xi32>,
    %get3A_491 = arith.constant 784 : index
    %get3A_492 = tpu.vector_load %arg5[%get3A_491] {strides = array<i32>} : memref<2048xi32, #tpu.memory_space<vmem>>, vector<16xi32>,
    %get3A_493 = vector.shape_cast %get3A_492 : vector<16xi32> to vector<16xi32>
    %and3A_494 = arith.andi %get3A_493, %broadcast_in_dim3A_3 : vector<16xi32>
    %min3A_495 = arith.minsi %and3A_494, %broadcast_in_dim3A_5 : vector<16xi32>
    %sub3A_496 = arith.subi %broadcast_in_dim3A_5, %min3A_495 : vector<16xi32>
    %swap3A_497 = arith.constant 784 : index
    %swap3A_498 = tpu.vector_load %arg6[%swap3A_497] {strides = array<i32>} : memref<2048xi32, #tpu.memory_space<vmem>>, vector<16xi32>,
    %swap3A_499 = vector.shape_cast %swap3A_498 : vector<16xi32> to vector<16xi32>
    %swap3A_500 = vector.shape_cast %sub3A_496 : vector<16xi32> to vector<16xi32>
    tpu.vector_store %arg6[%swap3A_497], %swap3A_500 {strides = array<i32>} : memref<2048xi32, #tpu.memory_space<vmem>>, vector<16xi32>,
    %get3A_501 = arith.constant 800 : index
    %get3A_502 = tpu.vector_load %arg5[%get3A_501] {strides = array<i32>} : memref<2048xi32, #tpu.memory_space<vmem>>, vector<16xi32>,
    %get3A_503 = vector.shape_cast %get3A_502 : vector<16xi32> to vector<16xi32>
    %and3A_504 = arith.andi %get3A_503, %broadcast_in_dim3A_3 : vector<16xi32>
    %min3A_505 = arith.minsi %and3A_504, %broadcast_in_dim3A_5 : vector<16xi32>
    %sub3A_506 = arith.subi %broadcast_in_dim3A_5, %min3A_505 : vector<16xi32>
    %swap3A_507 = arith.constant 800 : index
    %swap3A_508 = tpu.vector_load %arg6[%swap3A_507] {strides = array<i32>} : memref<2048xi32, #tpu.memory_space<vmem>>, vector<16xi32>,
    %swap3A_509 = vector.shape_cast %swap3A_508 : vector<16xi32> to vector<16xi32>
    %swap3A_510 = vector.shape_cast %sub3A_506 : vector<16xi32> to vector<16xi32>
    tpu.vector_store %arg6[%swap3A_507], %swap3A_510 {strides = array<i32>} : memref<2048xi32, #tpu.memory_space<vmem>>, vector<16xi32>,
    %get3A_511 = arith.constant 816 : index
    %get3A_512 = tpu.vector_load %arg5[%get3A_511] {strides = array<i32>} : memref<2048xi32, #tpu.memory_space<vmem>>, vector<16xi32>,
    %get3A_513 = vector.shape_cast %get3A_512 : vector<16xi32> to vector<16xi32>
    %and3A_514 = arith.andi %get3A_513, %broadcast_in_dim3A_3 : vector<16xi32>
    %min3A_515 = arith.minsi %and3A_514, %broadcast_in_dim3A_5 : vector<16xi32>
    %sub3A_516 = arith.subi %broadcast_in_dim3A_5, %min3A_515 : vector<16xi32>
    %swap3A_517 = arith.constant 816 : index
    %swap3A_518 = tpu.vector_load %arg6[%swap3A_517] {strides = array<i32>} : memref<2048xi32, #tpu.memory_space<vmem>>, vector<16xi32>,
    %swap3A_519 = vector.shape_cast %swap3A_518 : vector<16xi32> to vector<16xi32>
    %swap3A_520 = vector.shape_cast %sub3A_516 : vector<16xi32> to vector<16xi32>
    tpu.vector_store %arg6[%swap3A_517], %swap3A_520 {strides = array<i32>} : memref<2048xi32, #tpu.memory_space<vmem>>, vector<16xi32>,
    %get3A_521 = arith.constant 832 : index
    %get3A_522 = tpu.vector_load %arg5[%get3A_521] {strides = array<i32>} : memref<2048xi32, #tpu.memory_space<vmem>>, vector<16xi32>,
    %get3A_523 = vector.shape_cast %get3A_522 : vector<16xi32> to vector<16xi32>
    %and3A_524 = arith.andi %get3A_523, %broadcast_in_dim3A_3 : vector<16xi32>
    %min3A_525 = arith.minsi %and3A_524, %broadcast_in_dim3A_5 : vector<16xi32>
    %sub3A_526 = arith.subi %broadcast_in_dim3A_5, %min3A_525 : vector<16xi32>
    %swap3A_527 = arith.constant 832 : index
    %swap3A_528 = tpu.vector_load %arg6[%swap3A_527] {strides = array<i32>} : memref<2048xi32, #tpu.memory_space<vmem>>, vector<16xi32>,
    %swap3A_529 = vector.shape_cast %swap3A_528 : vector<16xi32> to vector<16xi32>
    %swap3A_530 = vector.shape_cast %sub3A_526 : vector<16xi32> to vector<16xi32>
    tpu.vector_store %arg6[%swap3A_527], %swap3A_530 {strides = array<i32>} : memref<2048xi32, #tpu.memory_space<vmem>>, vector<16xi32>,
    %get3A_531 = arith.constant 848 : index
    %get3A_532 = tpu.vector_load %arg5[%get3A_531] {strides = array<i32>} : memref<2048xi32, #tpu.memory_space<vmem>>, vector<16xi32>,
    %get3A_533 = vector.shape_cast %get3A_532 : vector<16xi32> to vector<16xi32>
    %and3A_534 = arith.andi %get3A_533, %broadcast_in_dim3A_3 : vector<16xi32>
    %min3A_535 = arith.minsi %and3A_534, %broadcast_in_dim3A_5 : vector<16xi32>
    %sub3A_536 = arith.subi %broadcast_in_dim3A_5, %min3A_535 : vector<16xi32>
    %swap3A_537 = arith.constant 848 : index
    %swap3A_538 = tpu.vector_load %arg6[%swap3A_537] {strides = array<i32>} : memref<2048xi32, #tpu.memory_space<vmem>>, vector<16xi32>,
    %swap3A_539 = vector.shape_cast %swap3A_538 : vector<16xi32> to vector<16xi32>
    %swap3A_540 = vector.shape_cast %sub3A_536 : vector<16xi32> to vector<16xi32>
    tpu.vector_store %arg6[%swap3A_537], %swap3A_540 {strides = array<i32>} : memref<2048xi32, #tpu.memory_space<vmem>>, vector<16xi32>,
    %get3A_541 = arith.constant 864 : index
    %get3A_542 = tpu.vector_load %arg5[%get3A_541] {strides = array<i32>} : memref<2048xi32, #tpu.memory_space<vmem>>, vector<16xi32>,
    %get3A_543 = vector.shape_cast %get3A_542 : vector<16xi32> to vector<16xi32>
    %and3A_544 = arith.andi %get3A_543, %broadcast_in_dim3A_3 : vector<16xi32>
    %min3A_545 = arith.minsi %and3A_544, %broadcast_in_dim3A_5 : vector<16xi32>
    %sub3A_546 = arith.subi %broadcast_in_dim3A_5, %min3A_545 : vector<16xi32>
    %swap3A_547 = arith.constant 864 : index
    %swap3A_548 = tpu.vector_load %arg6[%swap3A_547] {strides = array<i32>} : memref<2048xi32, #tpu.memory_space<vmem>>, vector<16xi32>,
    %swap3A_549 = vector.shape_cast %swap3A_548 : vector<16xi32> to vector<16xi32>
    %swap3A_550 = vector.shape_cast %sub3A_546 : vector<16xi32> to vector<16xi32>
    tpu.vector_store %arg6[%swap3A_547], %swap3A_550 {strides = array<i32>} : memref<2048xi32, #tpu.memory_space<vmem>>, vector<16xi32>,
    %get3A_551 = arith.constant 880 : index
    %get3A_552 = tpu.vector_load %arg5[%get3A_551] {strides = array<i32>} : memref<2048xi32, #tpu.memory_space<vmem>>, vector<16xi32>,
    %get3A_553 = vector.shape_cast %get3A_552 : vector<16xi32> to vector<16xi32>
    %and3A_554 = arith.andi %get3A_553, %broadcast_in_dim3A_3 : vector<16xi32>
    %min3A_555 = arith.minsi %and3A_554, %broadcast_in_dim3A_5 : vector<16xi32>
    %sub3A_556 = arith.subi %broadcast_in_dim3A_5, %min3A_555 : vector<16xi32>
    %swap3A_557 = arith.constant 880 : index
    %swap3A_558 = tpu.vector_load %arg6[%swap3A_557] {strides = array<i32>} : memref<2048xi32, #tpu.memory_space<vmem>>, vector<16xi32>,
    %swap3A_559 = vector.shape_cast %swap3A_558 : vector<16xi32> to vector<16xi32>
    %swap3A_560 = vector.shape_cast %sub3A_556 : vector<16xi32> to vector<16xi32>
    tpu.vector_store %arg6[%swap3A_557], %swap3A_560 {strides = array<i32>} : memref<2048xi32, #tpu.memory_space<vmem>>, vector<16xi32>,
    %get3A_561 = arith.constant 896 : index
    %get3A_562 = tpu.vector_load %arg5[%get3A_561] {strides = array<i32>} : memref<2048xi32, #tpu.memory_space<vmem>>, vector<16xi32>,
    %get3A_563 = vector.shape_cast %get3A_562 : vector<16xi32> to vector<16xi32>
    %and3A_564 = arith.andi %get3A_563, %broadcast_in_dim3A_3 : vector<16xi32>
    %min3A_565 = arith.minsi %and3A_564, %broadcast_in_dim3A_5 : vector<16xi32>
    %sub3A_566 = arith.subi %broadcast_in_dim3A_5, %min3A_565 : vector<16xi32>
    %swap3A_567 = arith.constant 896 : index
    %swap3A_568 = tpu.vector_load %arg6[%swap3A_567] {strides = array<i32>} : memref<2048xi32, #tpu.memory_space<vmem>>, vector<16xi32>,
    %swap3A_569 = vector.shape_cast %swap3A_568 : vector<16xi32> to vector<16xi32>
    %swap3A_570 = vector.shape_cast %sub3A_566 : vector<16xi32> to vector<16xi32>
    tpu.vector_store %arg6[%swap3A_567], %swap3A_570 {strides = array<i32>} : memref<2048xi32, #tpu.memory_space<vmem>>, vector<16xi32>,
    %get3A_571 = arith.constant 912 : index
    %get3A_572 = tpu.vector_load %arg5[%get3A_571] {strides = array<i32>} : memref<2048xi32, #tpu.memory_space<vmem>>, vector<16xi32>,
    %get3A_573 = vector.shape_cast %get3A_572 : vector<16xi32> to vector<16xi32>
    %and3A_574 = arith.andi %get3A_573, %broadcast_in_dim3A_3 : vector<16xi32>
    %min3A_575 = arith.minsi %and3A_574, %broadcast_in_dim3A_5 : vector<16xi32>
    %sub3A_576 = arith.subi %broadcast_in_dim3A_5, %min3A_575 : vector<16xi32>
    %swap3A_577 = arith.constant 912 : index
    %swap3A_578 = tpu.vector_load %arg6[%swap3A_577] {strides = array<i32>} : memref<2048xi32, #tpu.memory_space<vmem>>, vector<16xi32>,
    %swap3A_579 = vector.shape_cast %swap3A_578 : vector<16xi32> to vector<16xi32>
    %swap3A_580 = vector.shape_cast %sub3A_576 : vector<16xi32> to vector<16xi32>
    tpu.vector_store %arg6[%swap3A_577], %swap3A_580 {strides = array<i32>} : memref<2048xi32, #tpu.memory_space<vmem>>, vector<16xi32>,
    %get3A_581 = arith.constant 928 : index
    %get3A_582 = tpu.vector_load %arg5[%get3A_581] {strides = array<i32>} : memref<2048xi32, #tpu.memory_space<vmem>>, vector<16xi32>,
    %get3A_583 = vector.shape_cast %get3A_582 : vector<16xi32> to vector<16xi32>
    %and3A_584 = arith.andi %get3A_583, %broadcast_in_dim3A_3 : vector<16xi32>
    %min3A_585 = arith.minsi %and3A_584, %broadcast_in_dim3A_5 : vector<16xi32>
    %sub3A_586 = arith.subi %broadcast_in_dim3A_5, %min3A_585 : vector<16xi32>
    %swap3A_587 = arith.constant 928 : index
    %swap3A_588 = tpu.vector_load %arg6[%swap3A_587] {strides = array<i32>} : memref<2048xi32, #tpu.memory_space<vmem>>, vector<16xi32>,
    %swap3A_589 = vector.shape_cast %swap3A_588 : vector<16xi32> to vector<16xi32>
    %swap3A_590 = vector.shape_cast %sub3A_586 : vector<16xi32> to vector<16xi32>
    tpu.vector_store %arg6[%swap3A_587], %swap3A_590 {strides = array<i32>} : memref<2048xi32, #tpu.memory_space<vmem>>, vector<16xi32>,
    %get3A_591 = arith.constant 944 : index
    %get3A_592 = tpu.vector_load %arg5[%get3A_591] {strides = array<i32>} : memref<2048xi32, #tpu.memory_space<vmem>>, vector<16xi32>,
    %get3A_593 = vector.shape_cast %get3A_592 : vector<16xi32> to vector<16xi32>
    %and3A_594 = arith.andi %get3A_593, %broadcast_in_dim3A_3 : vector<16xi32>
    %min3A_595 = arith.minsi %and3A_594, %broadcast_in_dim3A_5 : vector<16xi32>
    %sub3A_596 = arith.subi %broadcast_in_dim3A_5, %min3A_595 : vector<16xi32>
    %swap3A_597 = arith.constant 944 : index
    %swap3A_598 = tpu.vector_load %arg6[%swap3A_597] {strides = array<i32>} : memref<2048xi32, #tpu.memory_space<vmem>>, vector<16xi32>,
    %swap3A_599 = vector.shape_cast %swap3A_598 : vector<16xi32> to vector<16xi32>
    %swap3A_600 = vector.shape_cast %sub3A_596 : vector<16xi32> to vector<16xi32>
    tpu.vector_store %arg6[%swap3A_597], %swap3A_600 {strides = array<i32>} : memref<2048xi32, #tpu.memory_space<vmem>>, vector<16xi32>,
    %get3A_601 = arith.constant 960 : index
    %get3A_602 = tpu.vector_load %arg5[%get3A_601] {strides = array<i32>} : memref<2048xi32, #tpu.memory_space<vmem>>, vector<16xi32>,
    %get3A_603 = vector.shape_cast %get3A_602 : vector<16xi32> to vector<16xi32>
    %and3A_604 = arith.andi %get3A_603, %broadcast_in_dim3A_3 : vector<16xi32>
    %min3A_605 = arith.minsi %and3A_604, %broadcast_in_dim3A_5 : vector<16xi32>
    %sub3A_606 = arith.subi %broadcast_in_dim3A_5, %min3A_605 : vector<16xi32>
    %swap3A_607 = arith.constant 960 : index
    %swap3A_608 = tpu.vector_load %arg6[%swap3A_607] {strides = array<i32>} : memref<2048xi32, #tpu.memory_space<vmem>>, vector<16xi32>,
    %swap3A_609 = vector.shape_cast %swap3A_608 : vector<16xi32> to vector<16xi32>
    %swap3A_610 = vector.shape_cast %sub3A_606 : vector<16xi32> to vector<16xi32>
    tpu.vector_store %arg6[%swap3A_607], %swap3A_610 {strides = array<i32>} : memref<2048xi32, #tpu.memory_space<vmem>>, vector<16xi32>,
    %get3A_611 = arith.constant 976 : index
    %get3A_612 = tpu.vector_load %arg5[%get3A_611] {strides = array<i32>} : memref<2048xi32, #tpu.memory_space<vmem>>, vector<16xi32>,
    %get3A_613 = vector.shape_cast %get3A_612 : vector<16xi32> to vector<16xi32>
    %and3A_614 = arith.andi %get3A_613, %broadcast_in_dim3A_3 : vector<16xi32>
    %min3A_615 = arith.minsi %and3A_614, %broadcast_in_dim3A_5 : vector<16xi32>
    %sub3A_616 = arith.subi %broadcast_in_dim3A_5, %min3A_615 : vector<16xi32>
    %swap3A_617 = arith.constant 976 : index
    %swap3A_618 = tpu.vector_load %arg6[%swap3A_617] {strides = array<i32>} : memref<2048xi32, #tpu.memory_space<vmem>>, vector<16xi32>,
    %swap3A_619 = vector.shape_cast %swap3A_618 : vector<16xi32> to vector<16xi32>
    %swap3A_620 = vector.shape_cast %sub3A_616 : vector<16xi32> to vector<16xi32>
    tpu.vector_store %arg6[%swap3A_617], %swap3A_620 {strides = array<i32>} : memref<2048xi32, #tpu.memory_space<vmem>>, vector<16xi32>,
    %get3A_621 = arith.constant 992 : index
    %get3A_622 = tpu.vector_load %arg5[%get3A_621] {strides = array<i32>} : memref<2048xi32, #tpu.memory_space<vmem>>, vector<16xi32>,
    %get3A_623 = vector.shape_cast %get3A_622 : vector<16xi32> to vector<16xi32>
    %and3A_624 = arith.andi %get3A_623, %broadcast_in_dim3A_3 : vector<16xi32>
    %min3A_625 = arith.minsi %and3A_624, %broadcast_in_dim3A_5 : vector<16xi32>
    %sub3A_626 = arith.subi %broadcast_in_dim3A_5, %min3A_625 : vector<16xi32>
    %swap3A_627 = arith.constant 992 : index
    %swap3A_628 = tpu.vector_load %arg6[%swap3A_627] {strides = array<i32>} : memref<2048xi32, #tpu.memory_space<vmem>>, vector<16xi32>,
    %swap3A_629 = vector.shape_cast %swap3A_628 : vector<16xi32> to vector<16xi32>
    %swap3A_630 = vector.shape_cast %sub3A_626 : vector<16xi32> to vector<16xi32>
    tpu.vector_store %arg6[%swap3A_627], %swap3A_630 {strides = array<i32>} : memref<2048xi32, #tpu.memory_space<vmem>>, vector<16xi32>,
    %get3A_631 = arith.constant 1008 : index
    %get3A_632 = tpu.vector_load %arg5[%get3A_631] {strides = array<i32>} : memref<2048xi32, #tpu.memory_space<vmem>>, vector<16xi32>,
    %get3A_633 = vector.shape_cast %get3A_632 : vector<16xi32> to vector<16xi32>
    %and3A_634 = arith.andi %get3A_633, %broadcast_in_dim3A_3 : vector<16xi32>
    %min3A_635 = arith.minsi %and3A_634, %broadcast_in_dim3A_5 : vector<16xi32>
    %sub3A_636 = arith.subi %broadcast_in_dim3A_5, %min3A_635 : vector<16xi32>
    %swap3A_637 = arith.constant 1008 : index
    %swap3A_638 = tpu.vector_load %arg6[%swap3A_637] {strides = array<i32>} : memref<2048xi32, #tpu.memory_space<vmem>>, vector<16xi32>,
    %swap3A_639 = vector.shape_cast %swap3A_638 : vector<16xi32> to vector<16xi32>
    %swap3A_640 = vector.shape_cast %sub3A_636 : vector<16xi32> to vector<16xi32>
    tpu.vector_store %arg6[%swap3A_637], %swap3A_640 {strides = array<i32>} : memref<2048xi32, #tpu.memory_space<vmem>>, vector<16xi32>,
    %get3A_641 = arith.constant 1024 : index
    %get3A_642 = tpu.vector_load %arg5[%get3A_641] {strides = array<i32>} : memref<2048xi32, #tpu.memory_space<vmem>>, vector<16xi32>,
    %get3A_643 = vector.shape_cast %get3A_642 : vector<16xi32> to vector<16xi32>
    %and3A_644 = arith.andi %get3A_643, %broadcast_in_dim3A_3 : vector<16xi32>
    %min3A_645 = arith.minsi %and3A_644, %broadcast_in_dim3A_5 : vector<16xi32>
    %sub3A_646 = arith.subi %broadcast_in_dim3A_5, %min3A_645 : vector<16xi32>
    %swap3A_647 = arith.constant 1024 : index
    %swap3A_648 = tpu.vector_load %arg6[%swap3A_647] {strides = array<i32>} : memref<2048xi32, #tpu.memory_space<vmem>>, vector<16xi32>,
    %swap3A_649 = vector.shape_cast %swap3A_648 : vector<16xi32> to vector<16xi32>
    %swap3A_650 = vector.shape_cast %sub3A_646 : vector<16xi32> to vector<16xi32>
    tpu.vector_store %arg6[%swap3A_647], %swap3A_650 {strides = array<i32>} : memref<2048xi32, #tpu.memory_space<vmem>>, vector<16xi32>,
    %get3A_651 = arith.constant 1040 : index
    %get3A_652 = tpu.vector_load %arg5[%get3A_651] {strides = array<i32>} : memref<2048xi32, #tpu.memory_space<vmem>>, vector<16xi32>,
    %get3A_653 = vector.shape_cast %get3A_652 : vector<16xi32> to vector<16xi32>
    %and3A_654 = arith.andi %get3A_653, %broadcast_in_dim3A_3 : vector<16xi32>
    %min3A_655 = arith.minsi %and3A_654, %broadcast_in_dim3A_5 : vector<16xi32>
    %sub3A_656 = arith.subi %broadcast_in_dim3A_5, %min3A_655 : vector<16xi32>
    %swap3A_657 = arith.constant 1040 : index
    %swap3A_658 = tpu.vector_load %arg6[%swap3A_657] {strides = array<i32>} : memref<2048xi32, #tpu.memory_space<vmem>>, vector<16xi32>,
    %swap3A_659 = vector.shape_cast %swap3A_658 : vector<16xi32> to vector<16xi32>
    %swap3A_660 = vector.shape_cast %sub3A_656 : vector<16xi32> to vector<16xi32>
    tpu.vector_store %arg6[%swap3A_657], %swap3A_660 {strides = array<i32>} : memref<2048xi32, #tpu.memory_space<vmem>>, vector<16xi32>,
    %get3A_661 = arith.constant 1056 : index
    %get3A_662 = tpu.vector_load %arg5[%get3A_661] {strides = array<i32>} : memref<2048xi32, #tpu.memory_space<vmem>>, vector<16xi32>,
    %get3A_663 = vector.shape_cast %get3A_662 : vector<16xi32> to vector<16xi32>
    %and3A_664 = arith.andi %get3A_663, %broadcast_in_dim3A_3 : vector<16xi32>
    %min3A_665 = arith.minsi %and3A_664, %broadcast_in_dim3A_5 : vector<16xi32>
    %sub3A_666 = arith.subi %broadcast_in_dim3A_5, %min3A_665 : vector<16xi32>
    %swap3A_667 = arith.constant 1056 : index
    %swap3A_668 = tpu.vector_load %arg6[%swap3A_667] {strides = array<i32>} : memref<2048xi32, #tpu.memory_space<vmem>>, vector<16xi32>,
    %swap3A_669 = vector.shape_cast %swap3A_668 : vector<16xi32> to vector<16xi32>
    %swap3A_670 = vector.shape_cast %sub3A_666 : vector<16xi32> to vector<16xi32>
    tpu.vector_store %arg6[%swap3A_667], %swap3A_670 {strides = array<i32>} : memref<2048xi32, #tpu.memory_space<vmem>>, vector<16xi32>,
    %get3A_671 = arith.constant 1072 : index
    %get3A_672 = tpu.vector_load %arg5[%get3A_671] {strides = array<i32>} : memref<2048xi32, #tpu.memory_space<vmem>>, vector<16xi32>,
    %get3A_673 = vector.shape_cast %get3A_672 : vector<16xi32> to vector<16xi32>
    %and3A_674 = arith.andi %get3A_673, %broadcast_in_dim3A_3 : vector<16xi32>
    %min3A_675 = arith.minsi %and3A_674, %broadcast_in_dim3A_5 : vector<16xi32>
    %sub3A_676 = arith.subi %broadcast_in_dim3A_5, %min3A_675 : vector<16xi32>
    %swap3A_677 = arith.constant 1072 : index
    %swap3A_678 = tpu.vector_load %arg6[%swap3A_677] {strides = array<i32>} : memref<2048xi32, #tpu.memory_space<vmem>>, vector<16xi32>,
    %swap3A_679 = vector.shape_cast %swap3A_678 : vector<16xi32> to vector<16xi32>
    %swap3A_680 = vector.shape_cast %sub3A_676 : vector<16xi32> to vector<16xi32>
    tpu.vector_store %arg6[%swap3A_677], %swap3A_680 {strides = array<i32>} : memref<2048xi32, #tpu.memory_space<vmem>>, vector<16xi32>,
    %get3A_681 = arith.constant 1088 : index
    %get3A_682 = tpu.vector_load %arg5[%get3A_681] {strides = array<i32>} : memref<2048xi32, #tpu.memory_space<vmem>>, vector<16xi32>,
    %get3A_683 = vector.shape_cast %get3A_682 : vector<16xi32> to vector<16xi32>
    %and3A_684 = arith.andi %get3A_683, %broadcast_in_dim3A_3 : vector<16xi32>
    %min3A_685 = arith.minsi %and3A_684, %broadcast_in_dim3A_5 : vector<16xi32>
    %sub3A_686 = arith.subi %broadcast_in_dim3A_5, %min3A_685 : vector<16xi32>
    %swap3A_687 = arith.constant 1088 : index
    %swap3A_688 = tpu.vector_load %arg6[%swap3A_687] {strides = array<i32>} : memref<2048xi32, #tpu.memory_space<vmem>>, vector<16xi32>,
    %swap3A_689 = vector.shape_cast %swap3A_688 : vector<16xi32> to vector<16xi32>
    %swap3A_690 = vector.shape_cast %sub3A_686 : vector<16xi32> to vector<16xi32>
    tpu.vector_store %arg6[%swap3A_687], %swap3A_690 {strides = array<i32>} : memref<2048xi32, #tpu.memory_space<vmem>>, vector<16xi32>,
    %get3A_691 = arith.constant 1104 : index
    %get3A_692 = tpu.vector_load %arg5[%get3A_691] {strides = array<i32>} : memref<2048xi32, #tpu.memory_space<vmem>>, vector<16xi32>,
    %get3A_693 = vector.shape_cast %get3A_692 : vector<16xi32> to vector<16xi32>
    %and3A_694 = arith.andi %get3A_693, %broadcast_in_dim3A_3 : vector<16xi32>
    %min3A_695 = arith.minsi %and3A_694, %broadcast_in_dim3A_5 : vector<16xi32>
    %sub3A_696 = arith.subi %broadcast_in_dim3A_5, %min3A_695 : vector<16xi32>
    %swap3A_697 = arith.constant 1104 : index
    %swap3A_698 = tpu.vector_load %arg6[%swap3A_697] {strides = array<i32>} : memref<2048xi32, #tpu.memory_space<vmem>>, vector<16xi32>,
    %swap3A_699 = vector.shape_cast %swap3A_698 : vector<16xi32> to vector<16xi32>
    %swap3A_700 = vector.shape_cast %sub3A_696 : vector<16xi32> to vector<16xi32>
    tpu.vector_store %arg6[%swap3A_697], %swap3A_700 {strides = array<i32>} : memref<2048xi32, #tpu.memory_space<vmem>>, vector<16xi32>,
    %get3A_701 = arith.constant 1120 : index
    %get3A_702 = tpu.vector_load %arg5[%get3A_701] {strides = array<i32>} : memref<2048xi32, #tpu.memory_space<vmem>>, vector<16xi32>,
    %get3A_703 = vector.shape_cast %get3A_702 : vector<16xi32> to vector<16xi32>
    %and3A_704 = arith.andi %get3A_703, %broadcast_in_dim3A_3 : vector<16xi32>
    %min3A_705 = arith.minsi %and3A_704, %broadcast_in_dim3A_5 : vector<16xi32>
    %sub3A_706 = arith.subi %broadcast_in_dim3A_5, %min3A_705 : vector<16xi32>
    %swap3A_707 = arith.constant 1120 : index
    %swap3A_708 = tpu.vector_load %arg6[%swap3A_707] {strides = array<i32>} : memref<2048xi32, #tpu.memory_space<vmem>>, vector<16xi32>,
    %swap3A_709 = vector.shape_cast %swap3A_708 : vector<16xi32> to vector<16xi32>
    %swap3A_710 = vector.shape_cast %sub3A_706 : vector<16xi32> to vector<16xi32>
    tpu.vector_store %arg6[%swap3A_707], %swap3A_710 {strides = array<i32>} : memref<2048xi32, #tpu.memory_space<vmem>>, vector<16xi32>,
    %get3A_711 = arith.constant 1136 : index
    %get3A_712 = tpu.vector_load %arg5[%get3A_711] {strides = array<i32>} : memref<2048xi32, #tpu.memory_space<vmem>>, vector<16xi32>,
    %get3A_713 = vector.shape_cast %get3A_712 : vector<16xi32> to vector<16xi32>
    %and3A_714 = arith.andi %get3A_713, %broadcast_in_dim3A_3 : vector<16xi32>
    %min3A_715 = arith.minsi %and3A_714, %broadcast_in_dim3A_5 : vector<16xi32>
    %sub3A_716 = arith.subi %broadcast_in_dim3A_5, %min3A_715 : vector<16xi32>
    %swap3A_717 = arith.constant 1136 : index
    %swap3A_718 = tpu.vector_load %arg6[%swap3A_717] {strides = array<i32>} : memref<2048xi32, #tpu.memory_space<vmem>>, vector<16xi32>,
    %swap3A_719 = vector.shape_cast %swap3A_718 : vector<16xi32> to vector<16xi32>
    %swap3A_720 = vector.shape_cast %sub3A_716 : vector<16xi32> to vector<16xi32>
    tpu.vector_store %arg6[%swap3A_717], %swap3A_720 {strides = array<i32>} : memref<2048xi32, #tpu.memory_space<vmem>>, vector<16xi32>,
    %get3A_721 = arith.constant 1152 : index
    %get3A_722 = tpu.vector_load %arg5[%get3A_721] {strides = array<i32>} : memref<2048xi32, #tpu.memory_space<vmem>>, vector<16xi32>,
    %get3A_723 = vector.shape_cast %get3A_722 : vector<16xi32> to vector<16xi32>
    %and3A_724 = arith.andi %get3A_723, %broadcast_in_dim3A_3 : vector<16xi32>
    %min3A_725 = arith.minsi %and3A_724, %broadcast_in_dim3A_5 : vector<16xi32>
    %sub3A_726 = arith.subi %broadcast_in_dim3A_5, %min3A_725 : vector<16xi32>
    %swap3A_727 = arith.constant 1152 : index
    %swap3A_728 = tpu.vector_load %arg6[%swap3A_727] {strides = array<i32>} : memref<2048xi32, #tpu.memory_space<vmem>>, vector<16xi32>,
    %swap3A_729 = vector.shape_cast %swap3A_728 : vector<16xi32> to vector<16xi32>
    %swap3A_730 = vector.shape_cast %sub3A_726 : vector<16xi32> to vector<16xi32>
    tpu.vector_store %arg6[%swap3A_727], %swap3A_730 {strides = array<i32>} : memref<2048xi32, #tpu.memory_space<vmem>>, vector<16xi32>,
    %get3A_731 = arith.constant 1168 : index
    %get3A_732 = tpu.vector_load %arg5[%get3A_731] {strides = array<i32>} : memref<2048xi32, #tpu.memory_space<vmem>>, vector<16xi32>,
    %get3A_733 = vector.shape_cast %get3A_732 : vector<16xi32> to vector<16xi32>
    %and3A_734 = arith.andi %get3A_733, %broadcast_in_dim3A_3 : vector<16xi32>
    %min3A_735 = arith.minsi %and3A_734, %broadcast_in_dim3A_5 : vector<16xi32>
    %sub3A_736 = arith.subi %broadcast_in_dim3A_5, %min3A_735 : vector<16xi32>
    %swap3A_737 = arith.constant 1168 : index
    %swap3A_738 = tpu.vector_load %arg6[%swap3A_737] {strides = array<i32>} : memref<2048xi32, #tpu.memory_space<vmem>>, vector<16xi32>,
    %swap3A_739 = vector.shape_cast %swap3A_738 : vector<16xi32> to vector<16xi32>
    %swap3A_740 = vector.shape_cast %sub3A_736 : vector<16xi32> to vector<16xi32>
    tpu.vector_store %arg6[%swap3A_737], %swap3A_740 {strides = array<i32>} : memref<2048xi32, #tpu.memory_space<vmem>>, vector<16xi32>,
    %get3A_741 = arith.constant 1184 : index
    %get3A_742 = tpu.vector_load %arg5[%get3A_741] {strides = array<i32>} : memref<2048xi32, #tpu.memory_space<vmem>>, vector<16xi32>,
    %get3A_743 = vector.shape_cast %get3A_742 : vector<16xi32> to vector<16xi32>
    %and3A_744 = arith.andi %get3A_743, %broadcast_in_dim3A_3 : vector<16xi32>
    %min3A_745 = arith.minsi %and3A_744, %broadcast_in_dim3A_5 : vector<16xi32>
    %sub3A_746 = arith.subi %broadcast_in_dim3A_5, %min3A_745 : vector<16xi32>
    %swap3A_747 = arith.constant 1184 : index
    %swap3A_748 = tpu.vector_load %arg6[%swap3A_747] {strides = array<i32>} : memref<2048xi32, #tpu.memory_space<vmem>>, vector<16xi32>,
    %swap3A_749 = vector.shape_cast %swap3A_748 : vector<16xi32> to vector<16xi32>
    %swap3A_750 = vector.shape_cast %sub3A_746 : vector<16xi32> to vector<16xi32>
    tpu.vector_store %arg6[%swap3A_747], %swap3A_750 {strides = array<i32>} : memref<2048xi32, #tpu.memory_space<vmem>>, vector<16xi32>,
    %get3A_751 = arith.constant 1200 : index
    %get3A_752 = tpu.vector_load %arg5[%get3A_751] {strides = array<i32>} : memref<2048xi32, #tpu.memory_space<vmem>>, vector<16xi32>,
    %get3A_753 = vector.shape_cast %get3A_752 : vector<16xi32> to vector<16xi32>
    %and3A_754 = arith.andi %get3A_753, %broadcast_in_dim3A_3 : vector<16xi32>
    %min3A_755 = arith.minsi %and3A_754, %broadcast_in_dim3A_5 : vector<16xi32>
    %sub3A_756 = arith.subi %broadcast_in_dim3A_5, %min3A_755 : vector<16xi32>
    %swap3A_757 = arith.constant 1200 : index
    %swap3A_758 = tpu.vector_load %arg6[%swap3A_757] {strides = array<i32>} : memref<2048xi32, #tpu.memory_space<vmem>>, vector<16xi32>,
    %swap3A_759 = vector.shape_cast %swap3A_758 : vector<16xi32> to vector<16xi32>
    %swap3A_760 = vector.shape_cast %sub3A_756 : vector<16xi32> to vector<16xi32>
    tpu.vector_store %arg6[%swap3A_757], %swap3A_760 {strides = array<i32>} : memref<2048xi32, #tpu.memory_space<vmem>>, vector<16xi32>,
    %get3A_761 = arith.constant 1216 : index
    %get3A_762 = tpu.vector_load %arg5[%get3A_761] {strides = array<i32>} : memref<2048xi32, #tpu.memory_space<vmem>>, vector<16xi32>,
    %get3A_763 = vector.shape_cast %get3A_762 : vector<16xi32> to vector<16xi32>
    %and3A_764 = arith.andi %get3A_763, %broadcast_in_dim3A_3 : vector<16xi32>
    %min3A_765 = arith.minsi %and3A_764, %broadcast_in_dim3A_5 : vector<16xi32>
    %sub3A_766 = arith.subi %broadcast_in_dim3A_5, %min3A_765 : vector<16xi32>
    %swap3A_767 = arith.constant 1216 : index
    %swap3A_768 = tpu.vector_load %arg6[%swap3A_767] {strides = array<i32>} : memref<2048xi32, #tpu.memory_space<vmem>>, vector<16xi32>,
    %swap3A_769 = vector.shape_cast %swap3A_768 : vector<16xi32> to vector<16xi32>
    %swap3A_770 = vector.shape_cast %sub3A_766 : vector<16xi32> to vector<16xi32>
    tpu.vector_store %arg6[%swap3A_767], %swap3A_770 {strides = array<i32>} : memref<2048xi32, #tpu.memory_space<vmem>>, vector<16xi32>,
    %get3A_771 = arith.constant 1232 : index
    %get3A_772 = tpu.vector_load %arg5[%get3A_771] {strides = array<i32>} : memref<2048xi32, #tpu.memory_space<vmem>>, vector<16xi32>,
    %get3A_773 = vector.shape_cast %get3A_772 : vector<16xi32> to vector<16xi32>
    %and3A_774 = arith.andi %get3A_773, %broadcast_in_dim3A_3 : vector<16xi32>
    %min3A_775 = arith.minsi %and3A_774, %broadcast_in_dim3A_5 : vector<16xi32>
    %sub3A_776 = arith.subi %broadcast_in_dim3A_5, %min3A_775 : vector<16xi32>
    %swap3A_777 = arith.constant 1232 : index
    %swap3A_778 = tpu.vector_load %arg6[%swap3A_777] {strides = array<i32>} : memref<2048xi32, #tpu.memory_space<vmem>>, vector<16xi32>,
    %swap3A_779 = vector.shape_cast %swap3A_778 : vector<16xi32> to vector<16xi32>
    %swap3A_780 = vector.shape_cast %sub3A_776 : vector<16xi32> to vector<16xi32>
    tpu.vector_store %arg6[%swap3A_777], %swap3A_780 {strides = array<i32>} : memref<2048xi32, #tpu.memory_space<vmem>>, vector<16xi32>,
    %get3A_781 = arith.constant 1248 : index
    %get3A_782 = tpu.vector_load %arg5[%get3A_781] {strides = array<i32>} : memref<2048xi32, #tpu.memory_space<vmem>>, vector<16xi32>,
    %get3A_783 = vector.shape_cast %get3A_782 : vector<16xi32> to vector<16xi32>
    %and3A_784 = arith.andi %get3A_783, %broadcast_in_dim3A_3 : vector<16xi32>
    %min3A_785 = arith.minsi %and3A_784, %broadcast_in_dim3A_5 : vector<16xi32>
    %sub3A_786 = arith.subi %broadcast_in_dim3A_5, %min3A_785 : vector<16xi32>
    %swap3A_787 = arith.constant 1248 : index
    %swap3A_788 = tpu.vector_load %arg6[%swap3A_787] {strides = array<i32>} : memref<2048xi32, #tpu.memory_space<vmem>>, vector<16xi32>,
    %swap3A_789 = vector.shape_cast %swap3A_788 : vector<16xi32> to vector<16xi32>
    %swap3A_790 = vector.shape_cast %sub3A_786 : vector<16xi32> to vector<16xi32>
    tpu.vector_store %arg6[%swap3A_787], %swap3A_790 {strides = array<i32>} : memref<2048xi32, #tpu.memory_space<vmem>>, vector<16xi32>,
    %get3A_791 = arith.constant 1264 : index
    %get3A_792 = tpu.vector_load %arg5[%get3A_791] {strides = array<i32>} : memref<2048xi32, #tpu.memory_space<vmem>>, vector<16xi32>,
    %get3A_793 = vector.shape_cast %get3A_792 : vector<16xi32> to vector<16xi32>
    %and3A_794 = arith.andi %get3A_793, %broadcast_in_dim3A_3 : vector<16xi32>
    %min3A_795 = arith.minsi %and3A_794, %broadcast_in_dim3A_5 : vector<16xi32>
    %sub3A_796 = arith.subi %broadcast_in_dim3A_5, %min3A_795 : vector<16xi32>
    %swap3A_797 = arith.constant 1264 : index
    %swap3A_798 = tpu.vector_load %arg6[%swap3A_797] {strides = array<i32>} : memref<2048xi32, #tpu.memory_space<vmem>>, vector<16xi32>,
    %swap3A_799 = vector.shape_cast %swap3A_798 : vector<16xi32> to vector<16xi32>
    %swap3A_800 = vector.shape_cast %sub3A_796 : vector<16xi32> to vector<16xi32>
    tpu.vector_store %arg6[%swap3A_797], %swap3A_800 {strides = array<i32>} : memref<2048xi32, #tpu.memory_space<vmem>>, vector<16xi32>,
    %get3A_801 = arith.constant 1280 : index
    %get3A_802 = tpu.vector_load %arg5[%get3A_801] {strides = array<i32>} : memref<2048xi32, #tpu.memory_space<vmem>>, vector<16xi32>,
    %get3A_803 = vector.shape_cast %get3A_802 : vector<16xi32> to vector<16xi32>
    %and3A_804 = arith.andi %get3A_803, %broadcast_in_dim3A_3 : vector<16xi32>
    %min3A_805 = arith.minsi %and3A_804, %broadcast_in_dim3A_5 : vector<16xi32>
    %sub3A_806 = arith.subi %broadcast_in_dim3A_5, %min3A_805 : vector<16xi32>
    %swap3A_807 = arith.constant 1280 : index
    %swap3A_808 = tpu.vector_load %arg6[%swap3A_807] {strides = array<i32>} : memref<2048xi32, #tpu.memory_space<vmem>>, vector<16xi32>,
    %swap3A_809 = vector.shape_cast %swap3A_808 : vector<16xi32> to vector<16xi32>
    %swap3A_810 = vector.shape_cast %sub3A_806 : vector<16xi32> to vector<16xi32>
    tpu.vector_store %arg6[%swap3A_807], %swap3A_810 {strides = array<i32>} : memref<2048xi32, #tpu.memory_space<vmem>>, vector<16xi32>,
    %get3A_811 = arith.constant 1296 : index
    %get3A_812 = tpu.vector_load %arg5[%get3A_811] {strides = array<i32>} : memref<2048xi32, #tpu.memory_space<vmem>>, vector<16xi32>,
    %get3A_813 = vector.shape_cast %get3A_812 : vector<16xi32> to vector<16xi32>
    %and3A_814 = arith.andi %get3A_813, %broadcast_in_dim3A_3 : vector<16xi32>
    %min3A_815 = arith.minsi %and3A_814, %broadcast_in_dim3A_5 : vector<16xi32>
    %sub3A_816 = arith.subi %broadcast_in_dim3A_5, %min3A_815 : vector<16xi32>
    %swap3A_817 = arith.constant 1296 : index
    %swap3A_818 = tpu.vector_load %arg6[%swap3A_817] {strides = array<i32>} : memref<2048xi32, #tpu.memory_space<vmem>>, vector<16xi32>,
    %swap3A_819 = vector.shape_cast %swap3A_818 : vector<16xi32> to vector<16xi32>
    %swap3A_820 = vector.shape_cast %sub3A_816 : vector<16xi32> to vector<16xi32>
    tpu.vector_store %arg6[%swap3A_817], %swap3A_820 {strides = array<i32>} : memref<2048xi32, #tpu.memory_space<vmem>>, vector<16xi32>,
    %get3A_821 = arith.constant 1312 : index
    %get3A_822 = tpu.vector_load %arg5[%get3A_821] {strides = array<i32>} : memref<2048xi32, #tpu.memory_space<vmem>>, vector<16xi32>,
    %get3A_823 = vector.shape_cast %get3A_822 : vector<16xi32> to vector<16xi32>
    %and3A_824 = arith.andi %get3A_823, %broadcast_in_dim3A_3 : vector<16xi32>
    %min3A_825 = arith.minsi %and3A_824, %broadcast_in_dim3A_5 : vector<16xi32>
    %sub3A_826 = arith.subi %broadcast_in_dim3A_5, %min3A_825 : vector<16xi32>
    %swap3A_827 = arith.constant 1312 : index
    %swap3A_828 = tpu.vector_load %arg6[%swap3A_827] {strides = array<i32>} : memref<2048xi32, #tpu.memory_space<vmem>>, vector<16xi32>,
    %swap3A_829 = vector.shape_cast %swap3A_828 : vector<16xi32> to vector<16xi32>
    %swap3A_830 = vector.shape_cast %sub3A_826 : vector<16xi32> to vector<16xi32>
    tpu.vector_store %arg6[%swap3A_827], %swap3A_830 {strides = array<i32>} : memref<2048xi32, #tpu.memory_space<vmem>>, vector<16xi32>,
    %get3A_831 = arith.constant 1328 : index
    %get3A_832 = tpu.vector_load %arg5[%get3A_831] {strides = array<i32>} : memref<2048xi32, #tpu.memory_space<vmem>>, vector<16xi32>,
    %get3A_833 = vector.shape_cast %get3A_832 : vector<16xi32> to vector<16xi32>
    %and3A_834 = arith.andi %get3A_833, %broadcast_in_dim3A_3 : vector<16xi32>
    %min3A_835 = arith.minsi %and3A_834, %broadcast_in_dim3A_5 : vector<16xi32>
    %sub3A_836 = arith.subi %broadcast_in_dim3A_5, %min3A_835 : vector<16xi32>
    %swap3A_837 = arith.constant 1328 : index
    %swap3A_838 = tpu.vector_load %arg6[%swap3A_837] {strides = array<i32>} : memref<2048xi32, #tpu.memory_space<vmem>>, vector<16xi32>,
    %swap3A_839 = vector.shape_cast %swap3A_838 : vector<16xi32> to vector<16xi32>
    %swap3A_840 = vector.shape_cast %sub3A_836 : vector<16xi32> to vector<16xi32>
    tpu.vector_store %arg6[%swap3A_837], %swap3A_840 {strides = array<i32>} : memref<2048xi32, #tpu.memory_space<vmem>>, vector<16xi32>,
    %get3A_841 = arith.constant 1344 : index
    %get3A_842 = tpu.vector_load %arg5[%get3A_841] {strides = array<i32>} : memref<2048xi32, #tpu.memory_space<vmem>>, vector<16xi32>,
    %get3A_843 = vector.shape_cast %get3A_842 : vector<16xi32> to vector<16xi32>
    %and3A_844 = arith.andi %get3A_843, %broadcast_in_dim3A_3 : vector<16xi32>
    %min3A_845 = arith.minsi %and3A_844, %broadcast_in_dim3A_5 : vector<16xi32>
    %sub3A_846 = arith.subi %broadcast_in_dim3A_5, %min3A_845 : vector<16xi32>
    %swap3A_847 = arith.constant 1344 : index
    %swap3A_848 = tpu.vector_load %arg6[%swap3A_847] {strides = array<i32>} : memref<2048xi32, #tpu.memory_space<vmem>>, vector<16xi32>,
    %swap3A_849 = vector.shape_cast %swap3A_848 : vector<16xi32> to vector<16xi32>
    %swap3A_850 = vector.shape_cast %sub3A_846 : vector<16xi32> to vector<16xi32>
    tpu.vector_store %arg6[%swap3A_847], %swap3A_850 {strides = array<i32>} : memref<2048xi32, #tpu.memory_space<vmem>>, vector<16xi32>,
    %get3A_851 = arith.constant 1360 : index
    %get3A_852 = tpu.vector_load %arg5[%get3A_851] {strides = array<i32>} : memref<2048xi32, #tpu.memory_space<vmem>>, vector<16xi32>,
    %get3A_853 = vector.shape_cast %get3A_852 : vector<16xi32> to vector<16xi32>
    %and3A_854 = arith.andi %get3A_853, %broadcast_in_dim3A_3 : vector<16xi32>
    %min3A_855 = arith.minsi %and3A_854, %broadcast_in_dim3A_5 : vector<16xi32>
    %sub3A_856 = arith.subi %broadcast_in_dim3A_5, %min3A_855 : vector<16xi32>
    %swap3A_857 = arith.constant 1360 : index
    %swap3A_858 = tpu.vector_load %arg6[%swap3A_857] {strides = array<i32>} : memref<2048xi32, #tpu.memory_space<vmem>>, vector<16xi32>,
    %swap3A_859 = vector.shape_cast %swap3A_858 : vector<16xi32> to vector<16xi32>
    %swap3A_860 = vector.shape_cast %sub3A_856 : vector<16xi32> to vector<16xi32>
    tpu.vector_store %arg6[%swap3A_857], %swap3A_860 {strides = array<i32>} : memref<2048xi32, #tpu.memory_space<vmem>>, vector<16xi32>,
    %get3A_861 = arith.constant 1376 : index
    %get3A_862 = tpu.vector_load %arg5[%get3A_861] {strides = array<i32>} : memref<2048xi32, #tpu.memory_space<vmem>>, vector<16xi32>,
    %get3A_863 = vector.shape_cast %get3A_862 : vector<16xi32> to vector<16xi32>
    %and3A_864 = arith.andi %get3A_863, %broadcast_in_dim3A_3 : vector<16xi32>
    %min3A_865 = arith.minsi %and3A_864, %broadcast_in_dim3A_5 : vector<16xi32>
    %sub3A_866 = arith.subi %broadcast_in_dim3A_5, %min3A_865 : vector<16xi32>
    %swap3A_867 = arith.constant 1376 : index
    %swap3A_868 = tpu.vector_load %arg6[%swap3A_867] {strides = array<i32>} : memref<2048xi32, #tpu.memory_space<vmem>>, vector<16xi32>,
    %swap3A_869 = vector.shape_cast %swap3A_868 : vector<16xi32> to vector<16xi32>
    %swap3A_870 = vector.shape_cast %sub3A_866 : vector<16xi32> to vector<16xi32>
    tpu.vector_store %arg6[%swap3A_867], %swap3A_870 {strides = array<i32>} : memref<2048xi32, #tpu.memory_space<vmem>>, vector<16xi32>,
    %get3A_871 = arith.constant 1392 : index
    %get3A_872 = tpu.vector_load %arg5[%get3A_871] {strides = array<i32>} : memref<2048xi32, #tpu.memory_space<vmem>>, vector<16xi32>,
    %get3A_873 = vector.shape_cast %get3A_872 : vector<16xi32> to vector<16xi32>
    %and3A_874 = arith.andi %get3A_873, %broadcast_in_dim3A_3 : vector<16xi32>
    %min3A_875 = arith.minsi %and3A_874, %broadcast_in_dim3A_5 : vector<16xi32>
    %sub3A_876 = arith.subi %broadcast_in_dim3A_5, %min3A_875 : vector<16xi32>
    %swap3A_877 = arith.constant 1392 : index
    %swap3A_878 = tpu.vector_load %arg6[%swap3A_877] {strides = array<i32>} : memref<2048xi32, #tpu.memory_space<vmem>>, vector<16xi32>,
    %swap3A_879 = vector.shape_cast %swap3A_878 : vector<16xi32> to vector<16xi32>
    %swap3A_880 = vector.shape_cast %sub3A_876 : vector<16xi32> to vector<16xi32>
    tpu.vector_store %arg6[%swap3A_877], %swap3A_880 {strides = array<i32>} : memref<2048xi32, #tpu.memory_space<vmem>>, vector<16xi32>,
    %get3A_881 = arith.constant 1408 : index
    %get3A_882 = tpu.vector_load %arg5[%get3A_881] {strides = array<i32>} : memref<2048xi32, #tpu.memory_space<vmem>>, vector<16xi32>,
    %get3A_883 = vector.shape_cast %get3A_882 : vector<16xi32> to vector<16xi32>
    %and3A_884 = arith.andi %get3A_883, %broadcast_in_dim3A_3 : vector<16xi32>
    %min3A_885 = arith.minsi %and3A_884, %broadcast_in_dim3A_5 : vector<16xi32>
    %sub3A_886 = arith.subi %broadcast_in_dim3A_5, %min3A_885 : vector<16xi32>
    %swap3A_887 = arith.constant 1408 : index
    %swap3A_888 = tpu.vector_load %arg6[%swap3A_887] {strides = array<i32>} : memref<2048xi32, #tpu.memory_space<vmem>>, vector<16xi32>,
    %swap3A_889 = vector.shape_cast %swap3A_888 : vector<16xi32> to vector<16xi32>
    %swap3A_890 = vector.shape_cast %sub3A_886 : vector<16xi32> to vector<16xi32>
    tpu.vector_store %arg6[%swap3A_887], %swap3A_890 {strides = array<i32>} : memref<2048xi32, #tpu.memory_space<vmem>>, vector<16xi32>,
    %get3A_891 = arith.constant 1424 : index
    %get3A_892 = tpu.vector_load %arg5[%get3A_891] {strides = array<i32>} : memref<2048xi32, #tpu.memory_space<vmem>>, vector<16xi32>,
    %get3A_893 = vector.shape_cast %get3A_892 : vector<16xi32> to vector<16xi32>
    %and3A_894 = arith.andi %get3A_893, %broadcast_in_dim3A_3 : vector<16xi32>
    %min3A_895 = arith.minsi %and3A_894, %broadcast_in_dim3A_5 : vector<16xi32>
    %sub3A_896 = arith.subi %broadcast_in_dim3A_5, %min3A_895 : vector<16xi32>
    %swap3A_897 = arith.constant 1424 : index
    %swap3A_898 = tpu.vector_load %arg6[%swap3A_897] {strides = array<i32>} : memref<2048xi32, #tpu.memory_space<vmem>>, vector<16xi32>,
    %swap3A_899 = vector.shape_cast %swap3A_898 : vector<16xi32> to vector<16xi32>
    %swap3A_900 = vector.shape_cast %sub3A_896 : vector<16xi32> to vector<16xi32>
    tpu.vector_store %arg6[%swap3A_897], %swap3A_900 {strides = array<i32>} : memref<2048xi32, #tpu.memory_space<vmem>>, vector<16xi32>,
    %get3A_901 = arith.constant 1440 : index
    %get3A_902 = tpu.vector_load %arg5[%get3A_901] {strides = array<i32>} : memref<2048xi32, #tpu.memory_space<vmem>>, vector<16xi32>,
    %get3A_903 = vector.shape_cast %get3A_902 : vector<16xi32> to vector<16xi32>
    %and3A_904 = arith.andi %get3A_903, %broadcast_in_dim3A_3 : vector<16xi32>
    %min3A_905 = arith.minsi %and3A_904, %broadcast_in_dim3A_5 : vector<16xi32>
    %sub3A_906 = arith.subi %broadcast_in_dim3A_5, %min3A_905 : vector<16xi32>
    %swap3A_907 = arith.constant 1440 : index
    %swap3A_908 = tpu.vector_load %arg6[%swap3A_907] {strides = array<i32>} : memref<2048xi32, #tpu.memory_space<vmem>>, vector<16xi32>,
    %swap3A_909 = vector.shape_cast %swap3A_908 : vector<16xi32> to vector<16xi32>
    %swap3A_910 = vector.shape_cast %sub3A_906 : vector<16xi32> to vector<16xi32>
    tpu.vector_store %arg6[%swap3A_907], %swap3A_910 {strides = array<i32>} : memref<2048xi32, #tpu.memory_space<vmem>>, vector<16xi32>,
    %get3A_911 = arith.constant 1456 : index
    %get3A_912 = tpu.vector_load %arg5[%get3A_911] {strides = array<i32>} : memref<2048xi32, #tpu.memory_space<vmem>>, vector<16xi32>,
    %get3A_913 = vector.shape_cast %get3A_912 : vector<16xi32> to vector<16xi32>
    %and3A_914 = arith.andi %get3A_913, %broadcast_in_dim3A_3 : vector<16xi32>
    %min3A_915 = arith.minsi %and3A_914, %broadcast_in_dim3A_5 : vector<16xi32>
    %sub3A_916 = arith.subi %broadcast_in_dim3A_5, %min3A_915 : vector<16xi32>
    %swap3A_917 = arith.constant 1456 : index
    %swap3A_918 = tpu.vector_load %arg6[%swap3A_917] {strides = array<i32>} : memref<2048xi32, #tpu.memory_space<vmem>>, vector<16xi32>,
    %swap3A_919 = vector.shape_cast %swap3A_918 : vector<16xi32> to vector<16xi32>
    %swap3A_920 = vector.shape_cast %sub3A_916 : vector<16xi32> to vector<16xi32>
    tpu.vector_store %arg6[%swap3A_917], %swap3A_920 {strides = array<i32>} : memref<2048xi32, #tpu.memory_space<vmem>>, vector<16xi32>,
    %get3A_921 = arith.constant 1472 : index
    %get3A_922 = tpu.vector_load %arg5[%get3A_921] {strides = array<i32>} : memref<2048xi32, #tpu.memory_space<vmem>>, vector<16xi32>,
    %get3A_923 = vector.shape_cast %get3A_922 : vector<16xi32> to vector<16xi32>
    %and3A_924 = arith.andi %get3A_923, %broadcast_in_dim3A_3 : vector<16xi32>
    %min3A_925 = arith.minsi %and3A_924, %broadcast_in_dim3A_5 : vector<16xi32>
    %sub3A_926 = arith.subi %broadcast_in_dim3A_5, %min3A_925 : vector<16xi32>
    %swap3A_927 = arith.constant 1472 : index
    %swap3A_928 = tpu.vector_load %arg6[%swap3A_927] {strides = array<i32>} : memref<2048xi32, #tpu.memory_space<vmem>>, vector<16xi32>,
    %swap3A_929 = vector.shape_cast %swap3A_928 : vector<16xi32> to vector<16xi32>
    %swap3A_930 = vector.shape_cast %sub3A_926 : vector<16xi32> to vector<16xi32>
    tpu.vector_store %arg6[%swap3A_927], %swap3A_930 {strides = array<i32>} : memref<2048xi32, #tpu.memory_space<vmem>>, vector<16xi32>,
    %get3A_931 = arith.constant 1488 : index
    %get3A_932 = tpu.vector_load %arg5[%get3A_931] {strides = array<i32>} : memref<2048xi32, #tpu.memory_space<vmem>>, vector<16xi32>,
    %get3A_933 = vector.shape_cast %get3A_932 : vector<16xi32> to vector<16xi32>
    %and3A_934 = arith.andi %get3A_933, %broadcast_in_dim3A_3 : vector<16xi32>
    %min3A_935 = arith.minsi %and3A_934, %broadcast_in_dim3A_5 : vector<16xi32>
    %sub3A_936 = arith.subi %broadcast_in_dim3A_5, %min3A_935 : vector<16xi32>
    %swap3A_937 = arith.constant 1488 : index
    %swap3A_938 = tpu.vector_load %arg6[%swap3A_937] {strides = array<i32>} : memref<2048xi32, #tpu.memory_space<vmem>>, vector<16xi32>,
    %swap3A_939 = vector.shape_cast %swap3A_938 : vector<16xi32> to vector<16xi32>
    %swap3A_940 = vector.shape_cast %sub3A_936 : vector<16xi32> to vector<16xi32>
    tpu.vector_store %arg6[%swap3A_937], %swap3A_940 {strides = array<i32>} : memref<2048xi32, #tpu.memory_space<vmem>>, vector<16xi32>,
    %get3A_941 = arith.constant 1504 : index
    %get3A_942 = tpu.vector_load %arg5[%get3A_941] {strides = array<i32>} : memref<2048xi32, #tpu.memory_space<vmem>>, vector<16xi32>,
    %get3A_943 = vector.shape_cast %get3A_942 : vector<16xi32> to vector<16xi32>
    %and3A_944 = arith.andi %get3A_943, %broadcast_in_dim3A_3 : vector<16xi32>
    %min3A_945 = arith.minsi %and3A_944, %broadcast_in_dim3A_5 : vector<16xi32>
    %sub3A_946 = arith.subi %broadcast_in_dim3A_5, %min3A_945 : vector<16xi32>
    %swap3A_947 = arith.constant 1504 : index
    %swap3A_948 = tpu.vector_load %arg6[%swap3A_947] {strides = array<i32>} : memref<2048xi32, #tpu.memory_space<vmem>>, vector<16xi32>,
    %swap3A_949 = vector.shape_cast %swap3A_948 : vector<16xi32> to vector<16xi32>
    %swap3A_950 = vector.shape_cast %sub3A_946 : vector<16xi32> to vector<16xi32>
    tpu.vector_store %arg6[%swap3A_947], %swap3A_950 {strides = array<i32>} : memref<2048xi32, #tpu.memory_space<vmem>>, vector<16xi32>,
    %get3A_951 = arith.constant 1520 : index
    %get3A_952 = tpu.vector_load %arg5[%get3A_951] {strides = array<i32>} : memref<2048xi32, #tpu.memory_space<vmem>>, vector<16xi32>,
    %get3A_953 = vector.shape_cast %get3A_952 : vector<16xi32> to vector<16xi32>
    %and3A_954 = arith.andi %get3A_953, %broadcast_in_dim3A_3 : vector<16xi32>
    %min3A_955 = arith.minsi %and3A_954, %broadcast_in_dim3A_5 : vector<16xi32>
    %sub3A_956 = arith.subi %broadcast_in_dim3A_5, %min3A_955 : vector<16xi32>
    %swap3A_957 = arith.constant 1520 : index
    %swap3A_958 = tpu.vector_load %arg6[%swap3A_957] {strides = array<i32>} : memref<2048xi32, #tpu.memory_space<vmem>>, vector<16xi32>,
    %swap3A_959 = vector.shape_cast %swap3A_958 : vector<16xi32> to vector<16xi32>
    %swap3A_960 = vector.shape_cast %sub3A_956 : vector<16xi32> to vector<16xi32>
    tpu.vector_store %arg6[%swap3A_957], %swap3A_960 {strides = array<i32>} : memref<2048xi32, #tpu.memory_space<vmem>>, vector<16xi32>,
    %get3A_961 = arith.constant 1536 : index
    %get3A_962 = tpu.vector_load %arg5[%get3A_961] {strides = array<i32>} : memref<2048xi32, #tpu.memory_space<vmem>>, vector<16xi32>,
    %get3A_963 = vector.shape_cast %get3A_962 : vector<16xi32> to vector<16xi32>
    %and3A_964 = arith.andi %get3A_963, %broadcast_in_dim3A_3 : vector<16xi32>
    %min3A_965 = arith.minsi %and3A_964, %broadcast_in_dim3A_5 : vector<16xi32>
    %sub3A_966 = arith.subi %broadcast_in_dim3A_5, %min3A_965 : vector<16xi32>
    %swap3A_967 = arith.constant 1536 : index
    %swap3A_968 = tpu.vector_load %arg6[%swap3A_967] {strides = array<i32>} : memref<2048xi32, #tpu.memory_space<vmem>>, vector<16xi32>,
    %swap3A_969 = vector.shape_cast %swap3A_968 : vector<16xi32> to vector<16xi32>
    %swap3A_970 = vector.shape_cast %sub3A_966 : vector<16xi32> to vector<16xi32>
    tpu.vector_store %arg6[%swap3A_967], %swap3A_970 {strides = array<i32>} : memref<2048xi32, #tpu.memory_space<vmem>>, vector<16xi32>,
    %get3A_971 = arith.constant 1552 : index
    %get3A_972 = tpu.vector_load %arg5[%get3A_971] {strides = array<i32>} : memref<2048xi32, #tpu.memory_space<vmem>>, vector<16xi32>,
    %get3A_973 = vector.shape_cast %get3A_972 : vector<16xi32> to vector<16xi32>
    %and3A_974 = arith.andi %get3A_973, %broadcast_in_dim3A_3 : vector<16xi32>
    %min3A_975 = arith.minsi %and3A_974, %broadcast_in_dim3A_5 : vector<16xi32>
    %sub3A_976 = arith.subi %broadcast_in_dim3A_5, %min3A_975 : vector<16xi32>
    %swap3A_977 = arith.constant 1552 : index
    %swap3A_978 = tpu.vector_load %arg6[%swap3A_977] {strides = array<i32>} : memref<2048xi32, #tpu.memory_space<vmem>>, vector<16xi32>,
    %swap3A_979 = vector.shape_cast %swap3A_978 : vector<16xi32> to vector<16xi32>
    %swap3A_980 = vector.shape_cast %sub3A_976 : vector<16xi32> to vector<16xi32>
    tpu.vector_store %arg6[%swap3A_977], %swap3A_980 {strides = array<i32>} : memref<2048xi32, #tpu.memory_space<vmem>>, vector<16xi32>,
    %get3A_981 = arith.constant 1568 : index
    %get3A_982 = tpu.vector_load %arg5[%get3A_981] {strides = array<i32>} : memref<2048xi32, #tpu.memory_space<vmem>>, vector<16xi32>,
    %get3A_983 = vector.shape_cast %get3A_982 : vector<16xi32> to vector<16xi32>
    %and3A_984 = arith.andi %get3A_983, %broadcast_in_dim3A_3 : vector<16xi32>
    %min3A_985 = arith.minsi %and3A_984, %broadcast_in_dim3A_5 : vector<16xi32>
    %sub3A_986 = arith.subi %broadcast_in_dim3A_5, %min3A_985 : vector<16xi32>
    %swap3A_987 = arith.constant 1568 : index
    %swap3A_988 = tpu.vector_load %arg6[%swap3A_987] {strides = array<i32>} : memref<2048xi32, #tpu.memory_space<vmem>>, vector<16xi32>,
    %swap3A_989 = vector.shape_cast %swap3A_988 : vector<16xi32> to vector<16xi32>
    %swap3A_990 = vector.shape_cast %sub3A_986 : vector<16xi32> to vector<16xi32>
    tpu.vector_store %arg6[%swap3A_987], %swap3A_990 {strides = array<i32>} : memref<2048xi32, #tpu.memory_space<vmem>>, vector<16xi32>,
    %get3A_991 = arith.constant 1584 : index
    %get3A_992 = tpu.vector_load %arg5[%get3A_991] {strides = array<i32>} : memref<2048xi32, #tpu.memory_space<vmem>>, vector<16xi32>,
    %get3A_993 = vector.shape_cast %get3A_992 : vector<16xi32> to vector<16xi32>
    %and3A_994 = arith.andi %get3A_993, %broadcast_in_dim3A_3 : vector<16xi32>
    %min3A_995 = arith.minsi %and3A_994, %broadcast_in_dim3A_5 : vector<16xi32>
    %sub3A_996 = arith.subi %broadcast_in_dim3A_5, %min3A_995 : vector<16xi32>
    %swap3A_997 = arith.constant 1584 : index
    %swap3A_998 = tpu.vector_load %arg6[%swap3A_997] {strides = array<i32>} : memref<2048xi32, #tpu.memory_space<vmem>>, vector<16xi32>,
    %swap3A_999 = vector.shape_cast %swap3A_998 : vector<16xi32> to vector<16xi32>
    %swap3A_1000 = vector.shape_cast %sub3A_996 : vector<16xi32> to vector<16xi32>
    tpu.vector_store %arg6[%swap3A_997], %swap3A_1000 {strides = array<i32>} : memref<2048xi32, #tpu.memory_space<vmem>>, vector<16xi32>,
    %get3A_1001 = arith.constant 1600 : index
    %get3A_1002 = tpu.vector_load %arg5[%get3A_1001] {strides = array<i32>} : memref<2048xi32, #tpu.memory_space<vmem>>, vector<16xi32>,
    %get3A_1003 = vector.shape_cast %get3A_1002 : vector<16xi32> to vector<16xi32>
    %and3A_1004 = arith.andi %get3A_1003, %broadcast_in_dim3A_3 : vector<16xi32>
    %min3A_1005 = arith.minsi %and3A_1004, %broadcast_in_dim3A_5 : vector<16xi32>
    %sub3A_1006 = arith.subi %broadcast_in_dim3A_5, %min3A_1005 : vector<16xi32>
    %swap3A_1007 = arith.constant 1600 : index
    %swap3A_1008 = tpu.vector_load %arg6[%swap3A_1007] {strides = array<i32>} : memref<2048xi32, #tpu.memory_space<vmem>>, vector<16xi32>,
    %swap3A_1009 = vector.shape_cast %swap3A_1008 : vector<16xi32> to vector<16xi32>
    %swap3A_1010 = vector.shape_cast %sub3A_1006 : vector<16xi32> to vector<16xi32>
    tpu.vector_store %arg6[%swap3A_1007], %swap3A_1010 {strides = array<i32>} : memref<2048xi32, #tpu.memory_space<vmem>>, vector<16xi32>,
    %get3A_1011 = arith.constant 1616 : index
    %get3A_1012 = tpu.vector_load %arg5[%get3A_1011] {strides = array<i32>} : memref<2048xi32, #tpu.memory_space<vmem>>, vector<16xi32>,
    %get3A_1013 = vector.shape_cast %get3A_1012 : vector<16xi32> to vector<16xi32>
    %and3A_1014 = arith.andi %get3A_1013, %broadcast_in_dim3A_3 : vector<16xi32>
    %min3A_1015 = arith.minsi %and3A_1014, %broadcast_in_dim3A_5 : vector<16xi32>
    %sub3A_1016 = arith.subi %broadcast_in_dim3A_5, %min3A_1015 : vector<16xi32>
    %swap3A_1017 = arith.constant 1616 : index
    %swap3A_1018 = tpu.vector_load %arg6[%swap3A_1017] {strides = array<i32>} : memref<2048xi32, #tpu.memory_space<vmem>>, vector<16xi32>,
    %swap3A_1019 = vector.shape_cast %swap3A_1018 : vector<16xi32> to vector<16xi32>
    %swap3A_1020 = vector.shape_cast %sub3A_1016 : vector<16xi32> to vector<16xi32>
    tpu.vector_store %arg6[%swap3A_1017], %swap3A_1020 {strides = array<i32>} : memref<2048xi32, #tpu.memory_space<vmem>>, vector<16xi32>,
    %get3A_1021 = arith.constant 1632 : index
    %get3A_1022 = tpu.vector_load %arg5[%get3A_1021] {strides = array<i32>} : memref<2048xi32, #tpu.memory_space<vmem>>, vector<16xi32>,
    %get3A_1023 = vector.shape_cast %get3A_1022 : vector<16xi32> to vector<16xi32>
    %and3A_1024 = arith.andi %get3A_1023, %broadcast_in_dim3A_3 : vector<16xi32>
    %min3A_1025 = arith.minsi %and3A_1024, %broadcast_in_dim3A_5 : vector<16xi32>
    %sub3A_1026 = arith.subi %broadcast_in_dim3A_5, %min3A_1025 : vector<16xi32>
    %swap3A_1027 = arith.constant 1632 : index
    %swap3A_1028 = tpu.vector_load %arg6[%swap3A_1027] {strides = array<i32>} : memref<2048xi32, #tpu.memory_space<vmem>>, vector<16xi32>,
    %swap3A_1029 = vector.shape_cast %swap3A_1028 : vector<16xi32> to vector<16xi32>
    %swap3A_1030 = vector.shape_cast %sub3A_1026 : vector<16xi32> to vector<16xi32>
    tpu.vector_store %arg6[%swap3A_1027], %swap3A_1030 {strides = array<i32>} : memref<2048xi32, #tpu.memory_space<vmem>>, vector<16xi32>,
    %get3A_1031 = arith.constant 1648 : index
    %get3A_1032 = tpu.vector_load %arg5[%get3A_1031] {strides = array<i32>} : memref<2048xi32, #tpu.memory_space<vmem>>, vector<16xi32>,
    %get3A_1033 = vector.shape_cast %get3A_1032 : vector<16xi32> to vector<16xi32>
    %and3A_1034 = arith.andi %get3A_1033, %broadcast_in_dim3A_3 : vector<16xi32>
    %min3A_1035 = arith.minsi %and3A_1034, %broadcast_in_dim3A_5 : vector<16xi32>
    %sub3A_1036 = arith.subi %broadcast_in_dim3A_5, %min3A_1035 : vector<16xi32>
    %swap3A_1037 = arith.constant 1648 : index
    %swap3A_1038 = tpu.vector_load %arg6[%swap3A_1037] {strides = array<i32>} : memref<2048xi32, #tpu.memory_space<vmem>>, vector<16xi32>,
    %swap3A_1039 = vector.shape_cast %swap3A_1038 : vector<16xi32> to vector<16xi32>
    %swap3A_1040 = vector.shape_cast %sub3A_1036 : vector<16xi32> to vector<16xi32>
    tpu.vector_store %arg6[%swap3A_1037], %swap3A_1040 {strides = array<i32>} : memref<2048xi32, #tpu.memory_space<vmem>>, vector<16xi32>,
    %get3A_1041 = arith.constant 1664 : index
    %get3A_1042 = tpu.vector_load %arg5[%get3A_1041] {strides = array<i32>} : memref<2048xi32, #tpu.memory_space<vmem>>, vector<16xi32>,
    %get3A_1043 = vector.shape_cast %get3A_1042 : vector<16xi32> to vector<16xi32>
    %and3A_1044 = arith.andi %get3A_1043, %broadcast_in_dim3A_3 : vector<16xi32>
    %min3A_1045 = arith.minsi %and3A_1044, %broadcast_in_dim3A_5 : vector<16xi32>
    %sub3A_1046 = arith.subi %broadcast_in_dim3A_5, %min3A_1045 : vector<16xi32>
    %swap3A_1047 = arith.constant 1664 : index
    %swap3A_1048 = tpu.vector_load %arg6[%swap3A_1047] {strides = array<i32>} : memref<2048xi32, #tpu.memory_space<vmem>>, vector<16xi32>,
    %swap3A_1049 = vector.shape_cast %swap3A_1048 : vector<16xi32> to vector<16xi32>
    %swap3A_1050 = vector.shape_cast %sub3A_1046 : vector<16xi32> to vector<16xi32>
    tpu.vector_store %arg6[%swap3A_1047], %swap3A_1050 {strides = array<i32>} : memref<2048xi32, #tpu.memory_space<vmem>>, vector<16xi32>,
    %get3A_1051 = arith.constant 1680 : index
    %get3A_1052 = tpu.vector_load %arg5[%get3A_1051] {strides = array<i32>} : memref<2048xi32, #tpu.memory_space<vmem>>, vector<16xi32>,
    %get3A_1053 = vector.shape_cast %get3A_1052 : vector<16xi32> to vector<16xi32>
    %and3A_1054 = arith.andi %get3A_1053, %broadcast_in_dim3A_3 : vector<16xi32>
    %min3A_1055 = arith.minsi %and3A_1054, %broadcast_in_dim3A_5 : vector<16xi32>
    %sub3A_1056 = arith.subi %broadcast_in_dim3A_5, %min3A_1055 : vector<16xi32>
    %swap3A_1057 = arith.constant 1680 : index
    %swap3A_1058 = tpu.vector_load %arg6[%swap3A_1057] {strides = array<i32>} : memref<2048xi32, #tpu.memory_space<vmem>>, vector<16xi32>,
    %swap3A_1059 = vector.shape_cast %swap3A_1058 : vector<16xi32> to vector<16xi32>
    %swap3A_1060 = vector.shape_cast %sub3A_1056 : vector<16xi32> to vector<16xi32>
    tpu.vector_store %arg6[%swap3A_1057], %swap3A_1060 {strides = array<i32>} : memref<2048xi32, #tpu.memory_space<vmem>>, vector<16xi32>,
    %get3A_1061 = arith.constant 1696 : index
    %get3A_1062 = tpu.vector_load %arg5[%get3A_1061] {strides = array<i32>} : memref<2048xi32, #tpu.memory_space<vmem>>, vector<16xi32>,
    %get3A_1063 = vector.shape_cast %get3A_1062 : vector<16xi32> to vector<16xi32>
    %and3A_1064 = arith.andi %get3A_1063, %broadcast_in_dim3A_3 : vector<16xi32>
    %min3A_1065 = arith.minsi %and3A_1064, %broadcast_in_dim3A_5 : vector<16xi32>
    %sub3A_1066 = arith.subi %broadcast_in_dim3A_5, %min3A_1065 : vector<16xi32>
    %swap3A_1067 = arith.constant 1696 : index
    %swap3A_1068 = tpu.vector_load %arg6[%swap3A_1067] {strides = array<i32>} : memref<2048xi32, #tpu.memory_space<vmem>>, vector<16xi32>,
    %swap3A_1069 = vector.shape_cast %swap3A_1068 : vector<16xi32> to vector<16xi32>
    %swap3A_1070 = vector.shape_cast %sub3A_1066 : vector<16xi32> to vector<16xi32>
    tpu.vector_store %arg6[%swap3A_1067], %swap3A_1070 {strides = array<i32>} : memref<2048xi32, #tpu.memory_space<vmem>>, vector<16xi32>,
    %get3A_1071 = arith.constant 1712 : index
    %get3A_1072 = tpu.vector_load %arg5[%get3A_1071] {strides = array<i32>} : memref<2048xi32, #tpu.memory_space<vmem>>, vector<16xi32>,
    %get3A_1073 = vector.shape_cast %get3A_1072 : vector<16xi32> to vector<16xi32>
    %and3A_1074 = arith.andi %get3A_1073, %broadcast_in_dim3A_3 : vector<16xi32>
    %min3A_1075 = arith.minsi %and3A_1074, %broadcast_in_dim3A_5 : vector<16xi32>
    %sub3A_1076 = arith.subi %broadcast_in_dim3A_5, %min3A_1075 : vector<16xi32>
    %swap3A_1077 = arith.constant 1712 : index
    %swap3A_1078 = tpu.vector_load %arg6[%swap3A_1077] {strides = array<i32>} : memref<2048xi32, #tpu.memory_space<vmem>>, vector<16xi32>,
    %swap3A_1079 = vector.shape_cast %swap3A_1078 : vector<16xi32> to vector<16xi32>
    %swap3A_1080 = vector.shape_cast %sub3A_1076 : vector<16xi32> to vector<16xi32>
    tpu.vector_store %arg6[%swap3A_1077], %swap3A_1080 {strides = array<i32>} : memref<2048xi32, #tpu.memory_space<vmem>>, vector<16xi32>,
    %get3A_1081 = arith.constant 1728 : index
    %get3A_1082 = tpu.vector_load %arg5[%get3A_1081] {strides = array<i32>} : memref<2048xi32, #tpu.memory_space<vmem>>, vector<16xi32>,
    %get3A_1083 = vector.shape_cast %get3A_1082 : vector<16xi32> to vector<16xi32>
    %and3A_1084 = arith.andi %get3A_1083, %broadcast_in_dim3A_3 : vector<16xi32>
    %min3A_1085 = arith.minsi %and3A_1084, %broadcast_in_dim3A_5 : vector<16xi32>
    %sub3A_1086 = arith.subi %broadcast_in_dim3A_5, %min3A_1085 : vector<16xi32>
    %swap3A_1087 = arith.constant 1728 : index
    %swap3A_1088 = tpu.vector_load %arg6[%swap3A_1087] {strides = array<i32>} : memref<2048xi32, #tpu.memory_space<vmem>>, vector<16xi32>,
    %swap3A_1089 = vector.shape_cast %swap3A_1088 : vector<16xi32> to vector<16xi32>
    %swap3A_1090 = vector.shape_cast %sub3A_1086 : vector<16xi32> to vector<16xi32>
    tpu.vector_store %arg6[%swap3A_1087], %swap3A_1090 {strides = array<i32>} : memref<2048xi32, #tpu.memory_space<vmem>>, vector<16xi32>,
    %get3A_1091 = arith.constant 1744 : index
    %get3A_1092 = tpu.vector_load %arg5[%get3A_1091] {strides = array<i32>} : memref<2048xi32, #tpu.memory_space<vmem>>, vector<16xi32>,
    %get3A_1093 = vector.shape_cast %get3A_1092 : vector<16xi32> to vector<16xi32>
    %and3A_1094 = arith.andi %get3A_1093, %broadcast_in_dim3A_3 : vector<16xi32>
    %min3A_1095 = arith.minsi %and3A_1094, %broadcast_in_dim3A_5 : vector<16xi32>
    %sub3A_1096 = arith.subi %broadcast_in_dim3A_5, %min3A_1095 : vector<16xi32>
    %swap3A_1097 = arith.constant 1744 : index
    %swap3A_1098 = tpu.vector_load %arg6[%swap3A_1097] {strides = array<i32>} : memref<2048xi32, #tpu.memory_space<vmem>>, vector<16xi32>,
    %swap3A_1099 = vector.shape_cast %swap3A_1098 : vector<16xi32> to vector<16xi32>
    %swap3A_1100 = vector.shape_cast %sub3A_1096 : vector<16xi32> to vector<16xi32>
    tpu.vector_store %arg6[%swap3A_1097], %swap3A_1100 {strides = array<i32>} : memref<2048xi32, #tpu.memory_space<vmem>>, vector<16xi32>,
    %get3A_1101 = arith.constant 1760 : index
    %get3A_1102 = tpu.vector_load %arg5[%get3A_1101] {strides = array<i32>} : memref<2048xi32, #tpu.memory_space<vmem>>, vector<16xi32>,
    %get3A_1103 = vector.shape_cast %get3A_1102 : vector<16xi32> to vector<16xi32>
    %and3A_1104 = arith.andi %get3A_1103, %broadcast_in_dim3A_3 : vector<16xi32>
    %min3A_1105 = arith.minsi %and3A_1104, %broadcast_in_dim3A_5 : vector<16xi32>
    %sub3A_1106 = arith.subi %broadcast_in_dim3A_5, %min3A_1105 : vector<16xi32>
    %swap3A_1107 = arith.constant 1760 : index
    %swap3A_1108 = tpu.vector_load %arg6[%swap3A_1107] {strides = array<i32>} : memref<2048xi32, #tpu.memory_space<vmem>>, vector<16xi32>,
    %swap3A_1109 = vector.shape_cast %swap3A_1108 : vector<16xi32> to vector<16xi32>
    %swap3A_1110 = vector.shape_cast %sub3A_1106 : vector<16xi32> to vector<16xi32>
    tpu.vector_store %arg6[%swap3A_1107], %swap3A_1110 {strides = array<i32>} : memref<2048xi32, #tpu.memory_space<vmem>>, vector<16xi32>,
    %get3A_1111 = arith.constant 1776 : index
    %get3A_1112 = tpu.vector_load %arg5[%get3A_1111] {strides = array<i32>} : memref<2048xi32, #tpu.memory_space<vmem>>, vector<16xi32>,
    %get3A_1113 = vector.shape_cast %get3A_1112 : vector<16xi32> to vector<16xi32>
    %and3A_1114 = arith.andi %get3A_1113, %broadcast_in_dim3A_3 : vector<16xi32>
    %min3A_1115 = arith.minsi %and3A_1114, %broadcast_in_dim3A_5 : vector<16xi32>
    %sub3A_1116 = arith.subi %broadcast_in_dim3A_5, %min3A_1115 : vector<16xi32>
    %swap3A_1117 = arith.constant 1776 : index
    %swap3A_1118 = tpu.vector_load %arg6[%swap3A_1117] {strides = array<i32>} : memref<2048xi32, #tpu.memory_space<vmem>>, vector<16xi32>,
    %swap3A_1119 = vector.shape_cast %swap3A_1118 : vector<16xi32> to vector<16xi32>
    %swap3A_1120 = vector.shape_cast %sub3A_1116 : vector<16xi32> to vector<16xi32>
    tpu.vector_store %arg6[%swap3A_1117], %swap3A_1120 {strides = array<i32>} : memref<2048xi32, #tpu.memory_space<vmem>>, vector<16xi32>,
    %get3A_1121 = arith.constant 1792 : index
    %get3A_1122 = tpu.vector_load %arg5[%get3A_1121] {strides = array<i32>} : memref<2048xi32, #tpu.memory_space<vmem>>, vector<16xi32>,
    %get3A_1123 = vector.shape_cast %get3A_1122 : vector<16xi32> to vector<16xi32>
    %and3A_1124 = arith.andi %get3A_1123, %broadcast_in_dim3A_3 : vector<16xi32>
    %min3A_1125 = arith.minsi %and3A_1124, %broadcast_in_dim3A_5 : vector<16xi32>
    %sub3A_1126 = arith.subi %broadcast_in_dim3A_5, %min3A_1125 : vector<16xi32>
    %swap3A_1127 = arith.constant 1792 : index
    %swap3A_1128 = tpu.vector_load %arg6[%swap3A_1127] {strides = array<i32>} : memref<2048xi32, #tpu.memory_space<vmem>>, vector<16xi32>,
    %swap3A_1129 = vector.shape_cast %swap3A_1128 : vector<16xi32> to vector<16xi32>
    %swap3A_1130 = vector.shape_cast %sub3A_1126 : vector<16xi32> to vector<16xi32>
    tpu.vector_store %arg6[%swap3A_1127], %swap3A_1130 {strides = array<i32>} : memref<2048xi32, #tpu.memory_space<vmem>>, vector<16xi32>,
    %get3A_1131 = arith.constant 1808 : index
    %get3A_1132 = tpu.vector_load %arg5[%get3A_1131] {strides = array<i32>} : memref<2048xi32, #tpu.memory_space<vmem>>, vector<16xi32>,
    %get3A_1133 = vector.shape_cast %get3A_1132 : vector<16xi32> to vector<16xi32>
    %and3A_1134 = arith.andi %get3A_1133, %broadcast_in_dim3A_3 : vector<16xi32>
    %min3A_1135 = arith.minsi %and3A_1134, %broadcast_in_dim3A_5 : vector<16xi32>
    %sub3A_1136 = arith.subi %broadcast_in_dim3A_5, %min3A_1135 : vector<16xi32>
    %swap3A_1137 = arith.constant 1808 : index
    %swap3A_1138 = tpu.vector_load %arg6[%swap3A_1137] {strides = array<i32>} : memref<2048xi32, #tpu.memory_space<vmem>>, vector<16xi32>,
    %swap3A_1139 = vector.shape_cast %swap3A_1138 : vector<16xi32> to vector<16xi32>
    %swap3A_1140 = vector.shape_cast %sub3A_1136 : vector<16xi32> to vector<16xi32>
    tpu.vector_store %arg6[%swap3A_1137], %swap3A_1140 {strides = array<i32>} : memref<2048xi32, #tpu.memory_space<vmem>>, vector<16xi32>,
    %get3A_1141 = arith.constant 1824 : index
    %get3A_1142 = tpu.vector_load %arg5[%get3A_1141] {strides = array<i32>} : memref<2048xi32, #tpu.memory_space<vmem>>, vector<16xi32>,
    %get3A_1143 = vector.shape_cast %get3A_1142 : vector<16xi32> to vector<16xi32>
    %and3A_1144 = arith.andi %get3A_1143, %broadcast_in_dim3A_3 : vector<16xi32>
    %min3A_1145 = arith.minsi %and3A_1144, %broadcast_in_dim3A_5 : vector<16xi32>
    %sub3A_1146 = arith.subi %broadcast_in_dim3A_5, %min3A_1145 : vector<16xi32>
    %swap3A_1147 = arith.constant 1824 : index
    %swap3A_1148 = tpu.vector_load %arg6[%swap3A_1147] {strides = array<i32>} : memref<2048xi32, #tpu.memory_space<vmem>>, vector<16xi32>,
    %swap3A_1149 = vector.shape_cast %swap3A_1148 : vector<16xi32> to vector<16xi32>
    %swap3A_1150 = vector.shape_cast %sub3A_1146 : vector<16xi32> to vector<16xi32>
    tpu.vector_store %arg6[%swap3A_1147], %swap3A_1150 {strides = array<i32>} : memref<2048xi32, #tpu.memory_space<vmem>>, vector<16xi32>,
    %get3A_1151 = arith.constant 1840 : index
    %get3A_1152 = tpu.vector_load %arg5[%get3A_1151] {strides = array<i32>} : memref<2048xi32, #tpu.memory_space<vmem>>, vector<16xi32>,
    %get3A_1153 = vector.shape_cast %get3A_1152 : vector<16xi32> to vector<16xi32>
    %and3A_1154 = arith.andi %get3A_1153, %broadcast_in_dim3A_3 : vector<16xi32>
    %min3A_1155 = arith.minsi %and3A_1154, %broadcast_in_dim3A_5 : vector<16xi32>
    %sub3A_1156 = arith.subi %broadcast_in_dim3A_5, %min3A_1155 : vector<16xi32>
    %swap3A_1157 = arith.constant 1840 : index
    %swap3A_1158 = tpu.vector_load %arg6[%swap3A_1157] {strides = array<i32>} : memref<2048xi32, #tpu.memory_space<vmem>>, vector<16xi32>,
    %swap3A_1159 = vector.shape_cast %swap3A_1158 : vector<16xi32> to vector<16xi32>
    %swap3A_1160 = vector.shape_cast %sub3A_1156 : vector<16xi32> to vector<16xi32>
    tpu.vector_store %arg6[%swap3A_1157], %swap3A_1160 {strides = array<i32>} : memref<2048xi32, #tpu.memory_space<vmem>>, vector<16xi32>,
    %get3A_1161 = arith.constant 1856 : index
    %get3A_1162 = tpu.vector_load %arg5[%get3A_1161] {strides = array<i32>} : memref<2048xi32, #tpu.memory_space<vmem>>, vector<16xi32>,
    %get3A_1163 = vector.shape_cast %get3A_1162 : vector<16xi32> to vector<16xi32>
    %and3A_1164 = arith.andi %get3A_1163, %broadcast_in_dim3A_3 : vector<16xi32>
    %min3A_1165 = arith.minsi %and3A_1164, %broadcast_in_dim3A_5 : vector<16xi32>
    %sub3A_1166 = arith.subi %broadcast_in_dim3A_5, %min3A_1165 : vector<16xi32>
    %swap3A_1167 = arith.constant 1856 : index
    %swap3A_1168 = tpu.vector_load %arg6[%swap3A_1167] {strides = array<i32>} : memref<2048xi32, #tpu.memory_space<vmem>>, vector<16xi32>,
    %swap3A_1169 = vector.shape_cast %swap3A_1168 : vector<16xi32> to vector<16xi32>
    %swap3A_1170 = vector.shape_cast %sub3A_1166 : vector<16xi32> to vector<16xi32>
    tpu.vector_store %arg6[%swap3A_1167], %swap3A_1170 {strides = array<i32>} : memref<2048xi32, #tpu.memory_space<vmem>>, vector<16xi32>,
    %get3A_1171 = arith.constant 1872 : index
    %get3A_1172 = tpu.vector_load %arg5[%get3A_1171] {strides = array<i32>} : memref<2048xi32, #tpu.memory_space<vmem>>, vector<16xi32>,
    %get3A_1173 = vector.shape_cast %get3A_1172 : vector<16xi32> to vector<16xi32>
    %and3A_1174 = arith.andi %get3A_1173, %broadcast_in_dim3A_3 : vector<16xi32>
    %min3A_1175 = arith.minsi %and3A_1174, %broadcast_in_dim3A_5 : vector<16xi32>
    %sub3A_1176 = arith.subi %broadcast_in_dim3A_5, %min3A_1175 : vector<16xi32>
    %swap3A_1177 = arith.constant 1872 : index
    %swap3A_1178 = tpu.vector_load %arg6[%swap3A_1177] {strides = array<i32>} : memref<2048xi32, #tpu.memory_space<vmem>>, vector<16xi32>,
    %swap3A_1179 = vector.shape_cast %swap3A_1178 : vector<16xi32> to vector<16xi32>
    %swap3A_1180 = vector.shape_cast %sub3A_1176 : vector<16xi32> to vector<16xi32>
    tpu.vector_store %arg6[%swap3A_1177], %swap3A_1180 {strides = array<i32>} : memref<2048xi32, #tpu.memory_space<vmem>>, vector<16xi32>,
    %get3A_1181 = arith.constant 1888 : index
    %get3A_1182 = tpu.vector_load %arg5[%get3A_1181] {strides = array<i32>} : memref<2048xi32, #tpu.memory_space<vmem>>, vector<16xi32>,
    %get3A_1183 = vector.shape_cast %get3A_1182 : vector<16xi32> to vector<16xi32>
    %and3A_1184 = arith.andi %get3A_1183, %broadcast_in_dim3A_3 : vector<16xi32>
    %min3A_1185 = arith.minsi %and3A_1184, %broadcast_in_dim3A_5 : vector<16xi32>
    %sub3A_1186 = arith.subi %broadcast_in_dim3A_5, %min3A_1185 : vector<16xi32>
    %swap3A_1187 = arith.constant 1888 : index
    %swap3A_1188 = tpu.vector_load %arg6[%swap3A_1187] {strides = array<i32>} : memref<2048xi32, #tpu.memory_space<vmem>>, vector<16xi32>,
    %swap3A_1189 = vector.shape_cast %swap3A_1188 : vector<16xi32> to vector<16xi32>
    %swap3A_1190 = vector.shape_cast %sub3A_1186 : vector<16xi32> to vector<16xi32>
    tpu.vector_store %arg6[%swap3A_1187], %swap3A_1190 {strides = array<i32>} : memref<2048xi32, #tpu.memory_space<vmem>>, vector<16xi32>,
    %get3A_1191 = arith.constant 1904 : index
    %get3A_1192 = tpu.vector_load %arg5[%get3A_1191] {strides = array<i32>} : memref<2048xi32, #tpu.memory_space<vmem>>, vector<16xi32>,
    %get3A_1193 = vector.shape_cast %get3A_1192 : vector<16xi32> to vector<16xi32>
    %and3A_1194 = arith.andi %get3A_1193, %broadcast_in_dim3A_3 : vector<16xi32>
    %min3A_1195 = arith.minsi %and3A_1194, %broadcast_in_dim3A_5 : vector<16xi32>
    %sub3A_1196 = arith.subi %broadcast_in_dim3A_5, %min3A_1195 : vector<16xi32>
    %swap3A_1197 = arith.constant 1904 : index
    %swap3A_1198 = tpu.vector_load %arg6[%swap3A_1197] {strides = array<i32>} : memref<2048xi32, #tpu.memory_space<vmem>>, vector<16xi32>,
    %swap3A_1199 = vector.shape_cast %swap3A_1198 : vector<16xi32> to vector<16xi32>
    %swap3A_1200 = vector.shape_cast %sub3A_1196 : vector<16xi32> to vector<16xi32>
    tpu.vector_store %arg6[%swap3A_1197], %swap3A_1200 {strides = array<i32>} : memref<2048xi32, #tpu.memory_space<vmem>>, vector<16xi32>,
    %get3A_1201 = arith.constant 1920 : index
    %get3A_1202 = tpu.vector_load %arg5[%get3A_1201] {strides = array<i32>} : memref<2048xi32, #tpu.memory_space<vmem>>, vector<16xi32>,
    %get3A_1203 = vector.shape_cast %get3A_1202 : vector<16xi32> to vector<16xi32>
    %and3A_1204 = arith.andi %get3A_1203, %broadcast_in_dim3A_3 : vector<16xi32>
    %min3A_1205 = arith.minsi %and3A_1204, %broadcast_in_dim3A_5 : vector<16xi32>
    %sub3A_1206 = arith.subi %broadcast_in_dim3A_5, %min3A_1205 : vector<16xi32>
    %swap3A_1207 = arith.constant 1920 : index
    %swap3A_1208 = tpu.vector_load %arg6[%swap3A_1207] {strides = array<i32>} : memref<2048xi32, #tpu.memory_space<vmem>>, vector<16xi32>,
    %swap3A_1209 = vector.shape_cast %swap3A_1208 : vector<16xi32> to vector<16xi32>
    %swap3A_1210 = vector.shape_cast %sub3A_1206 : vector<16xi32> to vector<16xi32>
    tpu.vector_store %arg6[%swap3A_1207], %swap3A_1210 {strides = array<i32>} : memref<2048xi32, #tpu.memory_space<vmem>>, vector<16xi32>,
    %get3A_1211 = arith.constant 1936 : index
    %get3A_1212 = tpu.vector_load %arg5[%get3A_1211] {strides = array<i32>} : memref<2048xi32, #tpu.memory_space<vmem>>, vector<16xi32>,
    %get3A_1213 = vector.shape_cast %get3A_1212 : vector<16xi32> to vector<16xi32>
    %and3A_1214 = arith.andi %get3A_1213, %broadcast_in_dim3A_3 : vector<16xi32>
    %min3A_1215 = arith.minsi %and3A_1214, %broadcast_in_dim3A_5 : vector<16xi32>
    %sub3A_1216 = arith.subi %broadcast_in_dim3A_5, %min3A_1215 : vector<16xi32>
    %swap3A_1217 = arith.constant 1936 : index
    %swap3A_1218 = tpu.vector_load %arg6[%swap3A_1217] {strides = array<i32>} : memref<2048xi32, #tpu.memory_space<vmem>>, vector<16xi32>,
    %swap3A_1219 = vector.shape_cast %swap3A_1218 : vector<16xi32> to vector<16xi32>
    %swap3A_1220 = vector.shape_cast %sub3A_1216 : vector<16xi32> to vector<16xi32>
    tpu.vector_store %arg6[%swap3A_1217], %swap3A_1220 {strides = array<i32>} : memref<2048xi32, #tpu.memory_space<vmem>>, vector<16xi32>,
    %get3A_1221 = arith.constant 1952 : index
    %get3A_1222 = tpu.vector_load %arg5[%get3A_1221] {strides = array<i32>} : memref<2048xi32, #tpu.memory_space<vmem>>, vector<16xi32>,
    %get3A_1223 = vector.shape_cast %get3A_1222 : vector<16xi32> to vector<16xi32>
    %and3A_1224 = arith.andi %get3A_1223, %broadcast_in_dim3A_3 : vector<16xi32>
    %min3A_1225 = arith.minsi %and3A_1224, %broadcast_in_dim3A_5 : vector<16xi32>
    %sub3A_1226 = arith.subi %broadcast_in_dim3A_5, %min3A_1225 : vector<16xi32>
    %swap3A_1227 = arith.constant 1952 : index
    %swap3A_1228 = tpu.vector_load %arg6[%swap3A_1227] {strides = array<i32>} : memref<2048xi32, #tpu.memory_space<vmem>>, vector<16xi32>,
    %swap3A_1229 = vector.shape_cast %swap3A_1228 : vector<16xi32> to vector<16xi32>
    %swap3A_1230 = vector.shape_cast %sub3A_1226 : vector<16xi32> to vector<16xi32>
    tpu.vector_store %arg6[%swap3A_1227], %swap3A_1230 {strides = array<i32>} : memref<2048xi32, #tpu.memory_space<vmem>>, vector<16xi32>,
    %get3A_1231 = arith.constant 1968 : index
    %get3A_1232 = tpu.vector_load %arg5[%get3A_1231] {strides = array<i32>} : memref<2048xi32, #tpu.memory_space<vmem>>, vector<16xi32>,
    %get3A_1233 = vector.shape_cast %get3A_1232 : vector<16xi32> to vector<16xi32>
    %and3A_1234 = arith.andi %get3A_1233, %broadcast_in_dim3A_3 : vector<16xi32>
    %min3A_1235 = arith.minsi %and3A_1234, %broadcast_in_dim3A_5 : vector<16xi32>
    %sub3A_1236 = arith.subi %broadcast_in_dim3A_5, %min3A_1235 : vector<16xi32>
    %swap3A_1237 = arith.constant 1968 : index
    %swap3A_1238 = tpu.vector_load %arg6[%swap3A_1237] {strides = array<i32>} : memref<2048xi32, #tpu.memory_space<vmem>>, vector<16xi32>,
    %swap3A_1239 = vector.shape_cast %swap3A_1238 : vector<16xi32> to vector<16xi32>
    %swap3A_1240 = vector.shape_cast %sub3A_1236 : vector<16xi32> to vector<16xi32>
    tpu.vector_store %arg6[%swap3A_1237], %swap3A_1240 {strides = array<i32>} : memref<2048xi32, #tpu.memory_space<vmem>>, vector<16xi32>,
    %get3A_1241 = arith.constant 1984 : index
    %get3A_1242 = tpu.vector_load %arg5[%get3A_1241] {strides = array<i32>} : memref<2048xi32, #tpu.memory_space<vmem>>, vector<16xi32>,
    %get3A_1243 = vector.shape_cast %get3A_1242 : vector<16xi32> to vector<16xi32>
    %and3A_1244 = arith.andi %get3A_1243, %broadcast_in_dim3A_3 : vector<16xi32>
    %min3A_1245 = arith.minsi %and3A_1244, %broadcast_in_dim3A_5 : vector<16xi32>
    %sub3A_1246 = arith.subi %broadcast_in_dim3A_5, %min3A_1245 : vector<16xi32>
    %swap3A_1247 = arith.constant 1984 : index
    %swap3A_1248 = tpu.vector_load %arg6[%swap3A_1247] {strides = array<i32>} : memref<2048xi32, #tpu.memory_space<vmem>>, vector<16xi32>,
    %swap3A_1249 = vector.shape_cast %swap3A_1248 : vector<16xi32> to vector<16xi32>
    %swap3A_1250 = vector.shape_cast %sub3A_1246 : vector<16xi32> to vector<16xi32>
    tpu.vector_store %arg6[%swap3A_1247], %swap3A_1250 {strides = array<i32>} : memref<2048xi32, #tpu.memory_space<vmem>>, vector<16xi32>,
    %get3A_1251 = arith.constant 2000 : index
    %get3A_1252 = tpu.vector_load %arg5[%get3A_1251] {strides = array<i32>} : memref<2048xi32, #tpu.memory_space<vmem>>, vector<16xi32>,
    %get3A_1253 = vector.shape_cast %get3A_1252 : vector<16xi32> to vector<16xi32>
    %and3A_1254 = arith.andi %get3A_1253, %broadcast_in_dim3A_3 : vector<16xi32>
    %min3A_1255 = arith.minsi %and3A_1254, %broadcast_in_dim3A_5 : vector<16xi32>
    %sub3A_1256 = arith.subi %broadcast_in_dim3A_5, %min3A_1255 : vector<16xi32>
    %swap3A_1257 = arith.constant 2000 : index
    %swap3A_1258 = tpu.vector_load %arg6[%swap3A_1257] {strides = array<i32>} : memref<2048xi32, #tpu.memory_space<vmem>>, vector<16xi32>,
    %swap3A_1259 = vector.shape_cast %swap3A_1258 : vector<16xi32> to vector<16xi32>
    %swap3A_1260 = vector.shape_cast %sub3A_1256 : vector<16xi32> to vector<16xi32>
    tpu.vector_store %arg6[%swap3A_1257], %swap3A_1260 {strides = array<i32>} : memref<2048xi32, #tpu.memory_space<vmem>>, vector<16xi32>,
    %get3A_1261 = arith.constant 2016 : index
    %get3A_1262 = tpu.vector_load %arg5[%get3A_1261] {strides = array<i32>} : memref<2048xi32, #tpu.memory_space<vmem>>, vector<16xi32>,
    %get3A_1263 = vector.shape_cast %get3A_1262 : vector<16xi32> to vector<16xi32>
    %and3A_1264 = arith.andi %get3A_1263, %broadcast_in_dim3A_3 : vector<16xi32>
    %min3A_1265 = arith.minsi %and3A_1264, %broadcast_in_dim3A_5 : vector<16xi32>
    %sub3A_1266 = arith.subi %broadcast_in_dim3A_5, %min3A_1265 : vector<16xi32>
    %swap3A_1267 = arith.constant 2016 : index
    %swap3A_1268 = tpu.vector_load %arg6[%swap3A_1267] {strides = array<i32>} : memref<2048xi32, #tpu.memory_space<vmem>>, vector<16xi32>,
    %swap3A_1269 = vector.shape_cast %swap3A_1268 : vector<16xi32> to vector<16xi32>
    %swap3A_1270 = vector.shape_cast %sub3A_1266 : vector<16xi32> to vector<16xi32>
    tpu.vector_store %arg6[%swap3A_1267], %swap3A_1270 {strides = array<i32>} : memref<2048xi32, #tpu.memory_space<vmem>>, vector<16xi32>,
    %get3A_1271 = arith.constant 2032 : index
    %get3A_1272 = tpu.vector_load %arg5[%get3A_1271] {strides = array<i32>} : memref<2048xi32, #tpu.memory_space<vmem>>, vector<16xi32>,
    %get3A_1273 = vector.shape_cast %get3A_1272 : vector<16xi32> to vector<16xi32>
    %and3A_1274 = arith.andi %get3A_1273, %broadcast_in_dim3A_3 : vector<16xi32>
    %min3A_1275 = arith.minsi %and3A_1274, %broadcast_in_dim3A_5 : vector<16xi32>
    %sub3A_1276 = arith.subi %broadcast_in_dim3A_5, %min3A_1275 : vector<16xi32>
    %swap3A_1277 = arith.constant 2032 : index
    %swap3A_1278 = tpu.vector_load %arg6[%swap3A_1277] {strides = array<i32>} : memref<2048xi32, #tpu.memory_space<vmem>>, vector<16xi32>,
    %swap3A_1279 = vector.shape_cast %swap3A_1278 : vector<16xi32> to vector<16xi32>
    %swap3A_1280 = vector.shape_cast %sub3A_1276 : vector<16xi32> to vector<16xi32>
    tpu.vector_store %arg6[%swap3A_1277], %swap3A_1280 {strides = array<i32>} : memref<2048xi32, #tpu.memory_space<vmem>>, vector<16xi32>,
    "tpu.region"() ({
      %run_scoped3A = tpu.sem_alloc : memref<!tpu.dma_semaphore, #tpu.memory_space<semaphore_mem>>
      %dma_start3A = tpu.memref_slice %arg3[%mul3A_2] : memref<65536xi32, #tpu.memory_space<hbm>> -> memref<2048xi32, #tpu.memory_space<hbm>>
      %dma_start3A_1281 = tpu.memref_slice %arg3[%mul3A_2] : memref<65536xi32, #tpu.memory_space<hbm>> -> memref<2048xi32, #tpu.memory_space<hbm>>
      tpu.enqueue_dma source(%arg5 : memref<2048xi32, #tpu.memory_space<vmem>>) target(%dma_start3A_1281 : memref<2048xi32, #tpu.memory_space<hbm>>) target_semaphore(%run_scoped3A : memref<!tpu.dma_semaphore, #tpu.memory_space<semaphore_mem>>)
      %dma_wait3A = tpu.memref_slice %arg3[%mul3A_2] : memref<65536xi32, #tpu.memory_space<hbm>> -> memref<2048xi32, #tpu.memory_space<hbm>>
      %dma_wait3A_1282 = tpu.memref_slice %arg3[%mul3A_2] : memref<65536xi32, #tpu.memory_space<hbm>> -> memref<2048xi32, #tpu.memory_space<hbm>>
      tpu.wait_dma2 semaphore(%run_scoped3A : memref<!tpu.dma_semaphore, #tpu.memory_space<semaphore_mem>>) src(%arg5 : memref<2048xi32, #tpu.memory_space<vmem>>) dst(%dma_wait3A_1282 : memref<2048xi32, #tpu.memory_space<hbm>>)
      tpu.yield
    }) : () -> ()
    "tpu.region"() ({
      %run_scoped3A = tpu.sem_alloc : memref<!tpu.dma_semaphore, #tpu.memory_space<semaphore_mem>>
      %dma_start3A = tpu.memref_slice %arg4[%mul3A_2] : memref<65536xi32, #tpu.memory_space<hbm>> -> memref<2048xi32, #tpu.memory_space<hbm>>
      %dma_start3A_1281 = tpu.memref_slice %arg4[%mul3A_2] : memref<65536xi32, #tpu.memory_space<hbm>> -> memref<2048xi32, #tpu.memory_space<hbm>>
      tpu.enqueue_dma source(%arg6 : memref<2048xi32, #tpu.memory_space<vmem>>) target(%dma_start3A_1281 : memref<2048xi32, #tpu.memory_space<hbm>>) target_semaphore(%run_scoped3A : memref<!tpu.dma_semaphore, #tpu.memory_space<semaphore_mem>>)
      %dma_wait3A = tpu.memref_slice %arg4[%mul3A_2] : memref<65536xi32, #tpu.memory_space<hbm>> -> memref<2048xi32, #tpu.memory_space<hbm>>
      %dma_wait3A_1282 = tpu.memref_slice %arg4[%mul3A_2] : memref<65536xi32, #tpu.memory_space<hbm>> -> memref<2048xi32, #tpu.memory_space<hbm>>
      tpu.wait_dma2 semaphore(%run_scoped3A : memref<!tpu.dma_semaphore, #tpu.memory_space<semaphore_mem>>) src(%arg6 : memref<2048xi32, #tpu.memory_space<vmem>>) dst(%dma_wait3A_1282 : memref<2048xi32, #tpu.memory_space<hbm>>)
      tpu.yield
    }) : () -> ()
    return
  }
}

</mosaic_0001>

<sc_bundles>
// kernel: kernel.3.cloned.1.call-start
scs
__scs_entry_jumppad:
0x0: {  	(pc) =	sbr.rel $0x88, $3  }
0x1: {  	(tag) =	ssettag $0x0;
	lr =	simm.s32 $0x1  }
0x2: {  	[smem:$0x3FA0] =	sst lr;
	_ =	strace $0xD0000000  }
0x3: {  	_ = 	snop  }
0x4: {  	_ = 	snop  }
0x5: {  	_ = 	snop  }
0x6: {  	_ = 	snop  }
0x7: {  	_ = 	snop  }
__scs_overlays_trampoline_lowered:
0x8: {  	[smem:$0x3FAF] =	sst s0  }
0x9: {  	[smem:$0x3FB0] =	sst s1  }
0xa: {  	[smem:$0x3FB1] =	sst s2  }
0xb: {  	[smem:$0x3FB2] =	sst s3  }
0xc: {  	[smem:$0x3FB3] =	sst s4  }
0xd: {  	[smem:$0x3FB4] =	sst s5  }
0xe: {  	[smem:$0x3FB5] =	sst s6  }
0xf: {  	[smem:$0x3FB6] =	sst s7  }
0x10: {  	[smem:$0x3FB7] =	sst s8  }
0x11: {  	[smem:$0x3FB8] =	sst s9;
	s0 =	simm.s32 @!p0 $0x0  }
0x12: {  	s1 =	sld [smem:$0x3F9E];
	s0 =	simm.s32 @p0 $0x1  }
0x13: {  	[smem:$0x3FB9] =	sst s0;
	s0 =	simm.s32 @!p1 $0x0  }
0x14: {  	s2 =	sld [smem:$0x3F9D];
	s0 =	simm.s32 @p1 $0x1  }
0x15: {  	[smem:$0x3FBA] =	sst s0;
	s0 =	simm.s32 @!p2 $0x0  }
0x16: {  	s3 =	sld [smem:$0x3FDB];
	s0 =	simm.s32 @p2 $0x1  }
0x17: {  	s4 =	simm.s32 $0x1BF5;
	[smem:$0x3FBC] =	sst s0  }
0x18: {  	s0 =	sld [smem:$0x3F9F];
	_ =	swait.ge [sflag:s4], $0x0  }
0x19: {  	s7 =	sld [smem:$0x3FA0]  }
0x1a: {  	s8 =	sadd.s32 $0xFFFFE003, lr  }
0x1b: {  	s9 =	sadd.s32 $0xFFFFFEF7, lr;
	s5 =	simm.s32 $0xFFFFFFFF;
	p2 =	slt.u32 s8, $0xFFFFF086  }
0x1c: {  	p1 =	slt.u32 s9, $0xF7A;
	s5 =	simm.s32 @!p2 $0x0  }
0x1d: {  	s5 =	simm.s32 @p1 $0x1;
	p0 =	seq.s32 s7, s2  }
0x1e: {  	s7 =	smul.u32 @!p0 $0xF7A, s2;
	p2 =	seq.s32 @!p0 s5, $0x0  }
0x1f: {  	s9 =	smul.u32 $0xF7A, s1;
	s8 =	simm.s32 @!p0 $0x1BF5;
	p2 =	por !p2, p0  }
0x20: {  	[sflag:s8] =	ssyncset.s32 @!p0 $0xFFFFF086;
	s6 =	sadd.s32 @!p0 s3, s7;
	s7 =	simm.s32 @!p0 $0x108  }
0x21: {  	s3 =	sadd.s32 s3, s9;
	s6 =	sadd.s32 @!p0 $0x88, s6;
	s7 =	simm.s32 @p2 $0x1082  }
0x22: {  	[simem:s7], [sflag:s8] =	dma.local @!p0 [hbm:s6], $0xF7A  }
0x23: {  	s9 =	sor.u32 $0xD0000000, s2;
	s6 =	simm.s32 $0x108;
	_ =	swait.ge @!p0 [sflag:s8], $0x0  }
0x24: {  	s3 =	sadd.s32 $0x88, s3;
	s6 =	simm.s32 @!p1 $0x1082;
	[sflag:s4] =	ssyncset.s32 $0xFFFFF086  }
0x25: {  	[simem:s6], [sflag:s4] =	dma.local [hbm:s3], $0xF7A  }
0x26: {  	[smem:$0x3FA0] =	sst s1;
	(tag) =	ssettag s2;
	_ =	strace s9  }
0x27: {  	s1 =	sld [smem:$0x3FB0]  }
0x28: {  	s2 =	sld [smem:$0x3FB1]  }
0x29: {  	s4 =	sld [smem:$0x3FB3]  }
0x2a: {  	p0 =	seq.s32 s5, $0x0;
	s5 =	sld [smem:$0x3FB4]  }
0x2b: {  	s6 =	sld [smem:$0x3FB5]  }
0x2c: {  	s7 =	sld [smem:$0x3FB6]  }
0x2d: {  	s3 =	simm.s32 $0x108;
	s8 =	sld [smem:$0x3FB7]  }
0x2e: {  	s3 =	simm.s32 @!p0 $0x1082;
	s9 =	sld [smem:$0x3FB8]  }
0x2f: {  	lr =	sadd.s32 s0, s3;
	s0 =	sld [smem:$0x3FAF]  }
0x30: {  	s3 =	sld [smem:$0x3FB2]  }
0x31: {  	[smem:$0x3FBB] =	sst s10  }
0x32: {  	s10 =	sld [smem:$0x3FB9];
	_ =	sdelay $0x3  }
0x33: {  	p0 =	seq.s32 s10, $0x1;
	s10 =	sld [smem:$0x3FBB];
	_ =	sdelay $0x3  }
0x34: {  	[smem:$0x3FBB] =	sst s10  }
0x35: {  	s10 =	sld [smem:$0x3FBA];
	_ =	sdelay $0x3  }
0x36: {  	p1 =	seq.s32 s10, $0x1;
	s10 =	sld [smem:$0x3FBB];
	_ =	sdelay $0x3  }
0x37: {  	[smem:$0x3FBB] =	sst s10  }
0x38: {  	s10 =	sld [smem:$0x3FBC]  }
0x39: {  	_ = 	snop;
	(pc) =	sbr.ind lr, $3  }
0x3a: {  	_ = 	snop  }
0x3b: {  	_ = 	snop  }
0x3c: {  	p2 =	seq.s32 s10, $0x1;
	s10 =	sld [smem:$0x3FBB]  }
0x3d: {  	_ =	shalt  }
0x3e: {  	_ =	shalt  }
0x3f: {  	_ =	shalt  }
0x40: {  	_ =	shalt  }
0x41: {  	_ =	shalt  }
0x42: {  	_ =	shalt  }
0x43: {  	_ =	shalt  }
0x44: {  	_ =	shalt  }
0x45: {  	_ =	shalt  }
0x46: {  	_ =	shalt  }
0x47: {  	_ =	shalt  }
0x48: {  	_ =	shalt  }
0x49: {  	_ =	shalt  }
0x4a: {  	_ =	shalt  }
0x4b: {  	_ =	shalt  }
0x4c: {  	_ =	shalt  }
0x4d: {  	_ =	shalt  }
0x4e: {  	_ =	shalt  }
0x4f: {  	_ =	shalt  }
0x50: {  	_ =	shalt  }
0x51: {  	_ =	shalt  }
0x52: {  	_ =	shalt  }
0x53: {  	_ =	shalt  }
0x54: {  	_ =	shalt  }
0x55: {  	_ =	shalt  }
0x56: {  	_ =	shalt  }
0x57: {  	_ =	shalt  }
0x58: {  	_ =	shalt  }
0x59: {  	_ =	shalt  }
0x5a: {  	_ =	shalt  }
0x5b: {  	_ =	shalt  }
0x5c: {  	_ =	shalt  }
0x5d: {  	_ =	shalt  }
0x5e: {  	_ =	shalt  }
0x5f: {  	_ =	shalt  }
0x60: {  	_ =	shalt  }
0x61: {  	_ =	shalt  }
0x62: {  	_ =	shalt  }
0x63: {  	_ =	shalt  }
0x64: {  	_ =	shalt  }
0x65: {  	_ =	shalt  }
0x66: {  	_ =	shalt  }
0x67: {  	_ =	shalt  }
0x68: {  	_ =	shalt  }
0x69: {  	_ =	shalt  }
0x6a: {  	_ =	shalt  }
0x6b: {  	_ =	shalt  }
0x6c: {  	_ =	shalt  }
0x6d: {  	_ =	shalt  }
0x6e: {  	_ =	shalt  }
0x6f: {  	_ =	shalt  }
0x70: {  	_ =	shalt  }
0x71: {  	_ =	shalt  }
0x72: {  	_ =	shalt  }
0x73: {  	_ =	shalt  }
0x74: {  	_ =	shalt  }
0x75: {  	_ =	shalt  }
0x76: {  	_ =	shalt  }
0x77: {  	_ =	shalt  }
0x78: {  	_ =	shalt  }
0x79: {  	_ =	shalt  }
0x7a: {  	_ =	shalt  }
0x7b: {  	_ =	shalt  }
0x7c: {  	_ =	shalt  }
0x7d: {  	_ =	shalt  }
0x7e: {  	_ =	shalt  }
0x7f: {  	_ =	shalt  }
0x80: {  	_ =	shalt  }
0x81: {  	_ =	shalt  }
0x82: {  	_ =	shalt  }
0x83: {  	_ =	shalt  }
0x84: {  	_ =	shalt  }
0x85: {  	_ =	shalt  }
0x86: {  	_ =	shalt  }
0x87: {  	_ =	shalt  }
.Lfunc_end0:
.L_simem_size_0:
called_computation_lowered:
.L_overlay_start_0:
0x88: {  	s2 =	sld [smem:$0x3FD9]  }
0x89: {  	s3 =	sld [smem:$0x3FFE];
	_ =	sdelay $0x1  }
0x8a: {  	s1 =	srdreg.scid  }
0x8b: {  	s0 =	sand.u32 $0x1, s1  }
0x8c: {  	s14 =	sshll.u32 s0, $0xA;
	s2 =	sadd.s32 s3, s2  }
0x8d: {  	s2 =	sadd.s32 s2, s14  }
0x8e: {  	[smem:$0x3FC7] =	sst s2  }
0x8f: {  	_ = 	snop  }
0x90: {  	s2 =	sld [smem:$0x3FD0];
	_ =	sdelay $0x2  }
0x91: {  	s15 =	simm.s32 $0xA;
	s4 =	simm.s32 $0x10  }
0x92: {  	[smem:s4], [sflag:s15] =	dma.local [hbm:s2], $0x1  }
0x93: {  	_ =	swait.eq [sflag:s15], $0x1  }
0x94: {  	[sflag:s15] =	ssyncset.done $0x0  }
0x95: {  	[sflag:s15] =	ssyncadd.s32 $0xFFFFFFFF  }
0x96: {  	s16 =	sld [smem:$0x10];
	(tm) =	ssettm $0x1  }
0x97: {  	s17 =	sld [smem:$0x3FFB];
	_ =	sdelay $0x3  }
0x98: {  	_ =	strace s17  }
0x99: {  	s3 =	sld [smem:$0x3FFC];
	_ =	sdelay $0x3  }
0x9a: {  	_ =	strace s3  }
0x9b: {  	s3 =	sld [smem:$0x3FFD];
	_ =	sdelay $0x3  }
0x9c: {  	_ =	strace s3  }
0x9d: {  	_ =	strace $0x8FFFFFFF  }
0x9e: {  	s18 =	sld [smem:$0x3FDB];
	_ =	sdelay $0x1  }
0x9f: {  	s19 =	simm.s32 $_scs_section_size  }
0xa0: {  	s5 =	simm.s32 $_size__tile_overlayer_lowered;
	s6 =	simm.s32 $_tile_overlayer_lowered  }
0xa1: {  	s22 =	simm.s32 $0x1BFF;
	s21 =	sshll.u32 s6, $0x1;
	s3 =	sadd.s32 s19, s18  }
0xa2: {  	s7 =	simm.s32 $0x0;
	s20 =	sshll.u32 s5, $0x1;
	s5 =	sadd.s32 s21, s3  }
0xa3: {  	[timem:s7], [sflag:s22] =	dma.local [hbm:s5], s20  }
0xa4: {  	_ =	swait.ge [sflag:s22], s20  }
0xa5: {  	s4 =	ssub.s32 $0x0, s20;
	[sflag:s22] =	ssyncset.done $0x0  }
0xa6: {  	[sflag:s22] =	ssyncadd.s32 s4;
	_ =	sdelay $0x1  }
0xa7: {  	s23 =	simm.s32 $0x1B8B  }
0xa8: {  	_ =	swait.ge [sflag:s23], $0x1  }
0xa9: {  	[sflag:s23] =	ssyncset.done $0x0  }
0xaa: {  	s25 =	simm.s32 $0x1B8E;
	s24 =	sld [smem:$0x3FFE];
	[sflag:s23] =	ssyncadd.s32 $0xFFFFFFFF  }
0xab: {  	s26 =	simm.s32 $execute0_lowered;
	[smem:$0x3FD2] =	sst s25  }
0xac: {  	s5 =	sshll.u32 s26, $0x1;
	_ =	strace $0x80000046;
	[dreg:$0x1] =	wrdreg $0xFFFFFFFF  }
0xad: {  	s28 =	simm.s32 $_size_execute0_lowered;
	s3 =	sadd.s32 s3, s5;
	[dreg:$0x0] =	wrdreg $0x0  }
0xae: {  	s5 =	sshll.u32 s28, $0x1;
	[dreg:$0x2] =	wrdreg s3  }
0xaf: {  	[dreg:$0x3] =	wrdreg s5  }
0xb0: {  	[dreg:$0x4] =	wrdreg $0xC0  }
0xb1: {  	_ =	task [dreg:s7], $0x5FFFF  }
0xb2: {  	[dreg:$0x1] =	wrdreg $0xFFFFFFFF  }
0xb3: {  	[dreg:$0x0] =	wrdreg $0x60  }
0xb4: {  	[dreg:$0x2] =	wrdreg s16  }
0xb5: {  	[dreg:$0x3] =	wrdreg s24  }
0xb6: {  	[dreg:$0x4] =	wrdreg $0x9  }
0xb7: {  	_ =	task.clear_ibuf [dreg:s7], $0x5FFFF;
	_ =	strace $0x90000046  }
0xb8: {  	s29 =	simm.s32 $0x9;
	_ =	strace $0x80000048  }
0xb9: {  	_ =	swait.ge [sflag:s29], $0x1  }
0xba: {  	[sflag:s29] =	ssyncadd.s32 $0xFFFFFFFF  }
0xbb: {  	_ =	strace $0x90000048  }
0xbc: {  	_ =	sfence  }
0xbd: {  	s30 =	sld [smem:$0x0];
	_ =	sdelay $0x2  }
0xbe: {  	s31 =	sshll.u32 s1, $0xD;
	s1 =	sshrl.u32 s1, $0x2  }
0xbf: {  	s3 =	sand.u32 $0x4000, s31;
	s1 =	sadd.s32 s1, s30  }
0xc0: {  	s0 =	sor.u32 s3, s0;
	s1 =	sshll.u32 s1, $0x11  }
0xc1: {  	s0 =	sor.u32 s1, s0  }
0xc2: {  	s0 =	sadd.s32 $0x8F2B, s0  }
0xc3: {  	[sflag:s0] =	ssyncadd.remote.s32 $0x1  }
0xc4: {  	_ =	sfence.sel $0xFFFF  }
0xc5: {  	[dreg:$0x0] =	wrdreg $0xFFFFFFFF;
	(pc) =	sbr.abs _section_cstart, $3  }
0xc6: {  	[dreg:$0x1] =	wrdreg $0xFFFFFFFF  }
0xc7: {  	_ =	task.clear_ibuf [dreg:s7], $0x2FFFF;
	_ =	strace $0x9FFFFFFF  }
0xc8: {  	(tm) =	ssettm $0x7FFFFFFF  }
0xc9: {  	_ =	shalt  }
tec
execute0_lowered:
.L_overlay_start_1:
0x0: {  	(tag) =	ssettag $0x1  }
0x1: {  	s3 =	rddreg [dreg:$0x0]  }
0x2: {  	s4 =	rddreg [dreg:$0x1]  }
0x3: {  	s0 =	rddreg [dreg:$0x2];
	s5 =	srdreg.scid  }
0x4: {  	s2 =	simm.s32 $0x0;
	s1 =	stileid.u32;
	s5 =	sand.u32 $0x1, s5  }
0x5: {  	s6 =	sshll.u32 s1, $0x9;
	s7 =	sshll.u32 s5, $0x8;
	s5 =	ssub.s32 $0x2, s5  }
0x6: {  	[smem:$0x7FF] =	sst s2;
	s6 =	sor.u32 s7, s6;
	s31 =	sshrl.u32 s5, $0x1  }
0x7: {  	_ =	strace $0x80000047;
	s8 =	sadd.s32 s6, s4;
	s7 =	ssub.s32 s5, s31  }
0x8: {  	s3 =	sadd.s32 s3, s6;
	s4 =	sadd.s32 $0xA00, s8;
	s5 =	sadd.s32 $0x2A00, s8  }
0x9: {  	v0 =	vimm.s32 $0x0;
	s6 =	smax.u32 s7, $0x1;
	s7 =	simm.s32 $0x1;
	s8 =	simm.s32 $0x800  }
.LBB2_1:
0xa: {  	[tilespmem:s2], [sflag:$0x1] =	stream.linear.gather [hbm4b:s3+s2], $0x800, $0x38;
	[tilespmem:$0x1000] =	vst v63  }
0xb: {  	_ =	swait.ge [sflag:s7], $0x800  }
0xc: {  	[sflag:s7] =	ssyncset.done $0x0  }
0xd: {  	[sflag:s7] =	ssyncadd.s32 $0xFFFFF800  }
0xe: {  	v1 =	vld [tilespmem:$0x0]  }
0xf: {  	v2 =	vld [tilespmem:$0x10]  }
0x10: {  	v3 =	vld [tilespmem:$0x20]  }
0x11: {  	v4 =	vld [tilespmem:$0x30]  }
0x12: {  	v5 =	vld [tilespmem:$0x40]  }
0x13: {  	v6 =	vld [tilespmem:$0x50];
	v1 =	vand.u32 $0x7FFFFFFF, v1  }
0x14: {  	vm0 =	veq.s32 v1, $0x0;
	v1 =	vand.u32 $0x7FFFFFFF, v2;
	v2 =	vld [tilespmem:$0x60]  }
0x15: {  	v7 =	vsel vm0, $0x1, v0;
	vm9 =	veq.s32 v1, $0x0;
	v1 =	vand.u32 $0x7FFFFFFF, v3;
	v3 =	vld [tilespmem:$0x70]  }
0x16: {  	v34 =	vld [tilespmem:$0x80];
	[tilespmem:$0x800] =	vst v7;
	v33 =	vsel vm9, $0x1, v0;
	vm10 =	veq.s32 v1, $0x0;
	v1 =	vand.u32 $0x7FFFFFFF, v4  }
0x17: {  	v36 =	vld [tilespmem:$0x90];
	[tilespmem:$0x810] =	vst v33;
	v35 =	vsel vm10, $0x1, v0;
	vm11 =	veq.s32 v1, $0x0;
	v1 =	vand.u32 $0x7FFFFFFF, v5  }
0x18: {  	v38 =	vld [tilespmem:$0xA0];
	[tilespmem:$0x820] =	vst v35;
	v37 =	vsel vm11, $0x1, v0;
	vm12 =	veq.s32 v1, $0x0;
	v1 =	vand.u32 $0x7FFFFFFF, v6  }
0x19: {  	[tilespmem:$0x830] =	vst v37;
	v39 =	vsel vm12, $0x1, v0;
	vm13 =	veq.s32 v1, $0x0;
	v1 =	vand.u32 $0x7FFFFFFF, v2;
	v2 =	vld [tilespmem:$0xB0]  }
0x1a: {  	[tilespmem:$0x840] =	vst v39;
	v40 =	vsel vm13, $0x1, v0;
	vm14 =	veq.s32 v1, $0x0;
	v1 =	vand.u32 $0x7FFFFFFF, v3;
	v3 =	vld [tilespmem:$0xC0]  }
0x1b: {  	v42 =	vld [tilespmem:$0xD0];
	[tilespmem:$0x850] =	vst v40;
	v41 =	vsel vm14, $0x1, v0;
	vm15 =	veq.s32 v1, $0x0;
	v1 =	vand.u32 $0x7FFFFFFF, v34  }
0x1c: {  	v44 =	vld [tilespmem:$0xE0];
	[tilespmem:$0x860] =	vst v41;
	v43 =	vsel vm15, $0x1, v0;
	vm4 =	veq.s32 v1, $0x0;
	v1 =	vand.u32 $0x7FFFFFFF, v36  }
0x1d: {  	v46 =	vld [tilespmem:$0xF0];
	[tilespmem:$0x870] =	vst v43;
	v45 =	vsel vm4, $0x1, v0;
	vm5 =	veq.s32 v1, $0x0;
	v1 =	vand.u32 $0x7FFFFFFF, v38  }
0x1e: {  	[tilespmem:$0x880] =	vst v45;
	v47 =	vsel vm5, $0x1, v0;
	vm6 =	veq.s32 v1, $0x0;
	v1 =	vand.u32 $0x7FFFFFFF, v2;
	v2 =	vld [tilespmem:$0x100]  }
0x1f: {  	[tilespmem:$0x890] =	vst v47;
	v48 =	vsel vm6, $0x1, v0;
	vm7 =	veq.s32 v1, $0x0;
	v1 =	vand.u32 $0x7FFFFFFF, v3;
	v3 =	vld [tilespmem:$0x110]  }
0x20: {  	v50 =	vld [tilespmem:$0x120];
	[tilespmem:$0x8A0] =	vst v48;
	v49 =	vsel vm7, $0x1, v0;
	vm8 =	veq.s32 v1, $0x0;
	v1 =	vand.u32 $0x7FFFFFFF, v42  }
0x21: {  	v52 =	vld [tilespmem:$0x130];
	[tilespmem:$0x8B0] =	vst v49;
	v51 =	vsel vm8, $0x1, v0;
	vm9 =	veq.s32 v1, $0x0;
	v1 =	vand.u32 $0x7FFFFFFF, v44  }
0x22: {  	v54 =	vld [tilespmem:$0x140];
	[tilespmem:$0x8C0] =	vst v51;
	v53 =	vsel vm9, $0x1, v0;
	vm10 =	veq.s32 v1, $0x0;
	v1 =	vand.u32 $0x7FFFFFFF, v46  }
0x23: {  	[tilespmem:$0x8D0] =	vst v53;
	v55 =	vsel vm10, $0x1, v0;
	vm11 =	veq.s32 v1, $0x0;
	v1 =	vand.u32 $0x7FFFFFFF, v2;
	v2 =	vld [tilespmem:$0x150]  }
0x24: {  	[tilespmem:$0x8E0] =	vst v55;
	v56 =	vsel vm11, $0x1, v0;
	vm12 =	veq.s32 v1, $0x0;
	v1 =	vand.u32 $0x7FFFFFFF, v3;
	v3 =	vld [tilespmem:$0x160]  }
0x25: {  	v58 =	vld [tilespmem:$0x170];
	[tilespmem:$0x8F0] =	vst v56;
	v57 =	vsel vm12, $0x1, v0;
	vm13 =	veq.s32 v1, $0x0;
	v1 =	vand.u32 $0x7FFFFFFF, v50  }
0x26: {  	v60 =	vld [tilespmem:$0x180];
	[tilespmem:$0x900] =	vst v57;
	v59 =	vsel vm13, $0x1, v0;
	vm14 =	veq.s32 v1, $0x0;
	v1 =	vand.u32 $0x7FFFFFFF, v52  }
0x27: {  	v62 =	vld [tilespmem:$0x190];
	[tilespmem:$0x910] =	vst v59;
	v61 =	vsel vm14, $0x1, v0;
	vm15 =	veq.s32 v1, $0x0;
	v1 =	vand.u32 $0x7FFFFFFF, v54  }
0x28: {  	[tilespmem:$0x920] =	vst v61;
	v63 =	vsel vm15, $0x1, v0;
	vm4 =	veq.s32 v1, $0x0;
	v1 =	vand.u32 $0x7FFFFFFF, v2;
	v2 =	vld [tilespmem:$0x1A0]  }
0x29: {  	[tilespmem:$0x930] =	vst v63;
	v9 =	vsel vm4, $0x1, v0;
	vm5 =	veq.s32 v1, $0x0;
	v1 =	vand.u32 $0x7FFFFFFF, v3;
	v3 =	vld [tilespmem:$0x1B0]  }
0x2a: {  	v11 =	vld [tilespmem:$0x1C0];
	[tilespmem:$0x940] =	vst v9;
	v10 =	vsel vm5, $0x1, v0;
	vm6 =	veq.s32 v1, $0x0;
	v1 =	vand.u32 $0x7FFFFFFF, v58  }
0x2b: {  	v13 =	vld [tilespmem:$0x1D0];
	[tilespmem:$0x950] =	vst v10;
	v12 =	vsel vm6, $0x1, v0;
	vm7 =	veq.s32 v1, $0x0;
	v1 =	vand.u32 $0x7FFFFFFF, v60  }
0x2c: {  	v15 =	vld [tilespmem:$0x1E0];
	[tilespmem:$0x960] =	vst v12;
	v14 =	vsel vm7, $0x1, v0;
	vm8 =	veq.s32 v1, $0x0;
	v1 =	vand.u32 $0x7FFFFFFF, v62  }
0x2d: {  	[tilespmem:$0x970] =	vst v14;
	v16 =	vsel vm8, $0x1, v0;
	vm9 =	veq.s32 v1, $0x0;
	v1 =	vand.u32 $0x7FFFFFFF, v2;
	v2 =	vld [tilespmem:$0x1F0]  }
0x2e: {  	[tilespmem:$0x980] =	vst v16;
	v17 =	vsel vm9, $0x1, v0;
	vm10 =	veq.s32 v1, $0x0;
	v1 =	vand.u32 $0x7FFFFFFF, v3;
	v3 =	vld [tilespmem:$0x200]  }
0x2f: {  	v19 =	vld [tilespmem:$0x210];
	[tilespmem:$0x990] =	vst v17;
	v18 =	vsel vm10, $0x1, v0;
	vm11 =	veq.s32 v1, $0x0;
	v1 =	vand.u32 $0x7FFFFFFF, v11  }
0x30: {  	v21 =	vld [tilespmem:$0x220];
	[tilespmem:$0x9A0] =	vst v18;
	v20 =	vsel vm11, $0x1, v0;
	vm12 =	veq.s32 v1, $0x0;
	v1 =	vand.u32 $0x7FFFFFFF, v13  }
0x31: {  	v23 =	vld [tilespmem:$0x230];
	[tilespmem:$0x9B0] =	vst v20;
	v22 =	vsel vm12, $0x1, v0;
	vm13 =	veq.s32 v1, $0x0;
	v1 =	vand.u32 $0x7FFFFFFF, v15  }
0x32: {  	[tilespmem:$0x9C0] =	vst v22;
	v24 =	vsel vm13, $0x1, v0;
	vm14 =	veq.s32 v1, $0x0;
	v1 =	vand.u32 $0x7FFFFFFF, v2;
	v2 =	vld [tilespmem:$0x240]  }
0x33: {  	[tilespmem:$0x9D0] =	vst v24;
	v25 =	vsel vm14, $0x1, v0;
	vm15 =	veq.s32 v1, $0x0;
	v1 =	vand.u32 $0x7FFFFFFF, v3;
	v3 =	vld [tilespmem:$0x250]  }
0x34: {  	v27 =	vld [tilespmem:$0x260];
	[tilespmem:$0x9E0] =	vst v25;
	v26 =	vsel vm15, $0x1, v0;
	vm4 =	veq.s32 v1, $0x0;
	v1 =	vand.u32 $0x7FFFFFFF, v19  }
0x35: {  	v29 =	vld [tilespmem:$0x270];
	[tilespmem:$0x9F0] =	vst v26;
	v28 =	vsel vm4, $0x1, v0;
	vm5 =	veq.s32 v1, $0x0;
	v1 =	vand.u32 $0x7FFFFFFF, v21  }
0x36: {  	v31 =	vld [tilespmem:$0x280];
	[tilespmem:$0xA00] =	vst v28;
	v30 =	vsel vm5, $0x1, v0;
	vm6 =	veq.s32 v1, $0x0;
	v1 =	vand.u32 $0x7FFFFFFF, v23  }
0x37: {  	[tilespmem:$0xA10] =	vst v30;
	v32 =	vsel vm6, $0x1, v0;
	vm7 =	veq.s32 v1, $0x0;
	v1 =	vand.u32 $0x7FFFFFFF, v2;
	v2 =	vld [tilespmem:$0x290]  }
0x38: {  	[tilespmem:$0xA20] =	vst v32;
	v33 =	vsel vm7, $0x1, v0;
	vm8 =	veq.s32 v1, $0x0;
	v1 =	vand.u32 $0x7FFFFFFF, v3;
	v3 =	vld [tilespmem:$0x2A0]  }
0x39: {  	v35 =	vld [tilespmem:$0x2B0];
	[tilespmem:$0xA30] =	vst v33;
	v34 =	vsel vm8, $0x1, v0;
	vm9 =	veq.s32 v1, $0x0;
	v1 =	vand.u32 $0x7FFFFFFF, v27  }
0x3a: {  	v37 =	vld [tilespmem:$0x2C0];
	[tilespmem:$0xA40] =	vst v34;
	v36 =	vsel vm9, $0x1, v0;
	vm10 =	veq.s32 v1, $0x0;
	v1 =	vand.u32 $0x7FFFFFFF, v29  }
0x3b: {  	v39 =	vld [tilespmem:$0x2D0];
	[tilespmem:$0xA50] =	vst v36;
	v38 =	vsel vm10, $0x1, v0;
	vm11 =	veq.s32 v1, $0x0;
	v1 =	vand.u32 $0x7FFFFFFF, v31  }
0x3c: {  	[tilespmem:$0xA60] =	vst v38;
	v40 =	vsel vm11, $0x1, v0;
	vm12 =	veq.s32 v1, $0x0;
	v1 =	vand.u32 $0x7FFFFFFF, v2;
	v2 =	vld [tilespmem:$0x2E0]  }
0x3d: {  	[tilespmem:$0xA70] =	vst v40;
	v41 =	vsel vm12, $0x1, v0;
	vm13 =	veq.s32 v1, $0x0;
	v1 =	vand.u32 $0x7FFFFFFF, v3;
	v3 =	vld [tilespmem:$0x2F0]  }
0x3e: {  	v43 =	vld [tilespmem:$0x300];
	[tilespmem:$0xA80] =	vst v41;
	v42 =	vsel vm13, $0x1, v0;
	vm14 =	veq.s32 v1, $0x0;
	v1 =	vand.u32 $0x7FFFFFFF, v35  }
0x3f: {  	v45 =	vld [tilespmem:$0x310];
	[tilespmem:$0xA90] =	vst v42;
	v44 =	vsel vm14, $0x1, v0;
	vm15 =	veq.s32 v1, $0x0;
	v1 =	vand.u32 $0x7FFFFFFF, v37  }
0x40: {  	v47 =	vld [tilespmem:$0x320];
	[tilespmem:$0xAA0] =	vst v44;
	v46 =	vsel vm15, $0x1, v0;
	vm4 =	veq.s32 v1, $0x0;
	v1 =	vand.u32 $0x7FFFFFFF, v39  }
0x41: {  	[tilespmem:$0xAB0] =	vst v46;
	v48 =	vsel vm4, $0x1, v0;
	vm5 =	veq.s32 v1, $0x0;
	v1 =	vand.u32 $0x7FFFFFFF, v2;
	v2 =	vld [tilespmem:$0x330]  }
0x42: {  	[tilespmem:$0xAC0] =	vst v48;
	v49 =	vsel vm5, $0x1, v0;
	vm6 =	veq.s32 v1, $0x0;
	v1 =	vand.u32 $0x7FFFFFFF, v3;
	v3 =	vld [tilespmem:$0x340]  }
0x43: {  	v51 =	vld [tilespmem:$0x350];
	[tilespmem:$0xAD0] =	vst v49;
	v50 =	vsel vm6, $0x1, v0;
	vm7 =	veq.s32 v1, $0x0;
	v1 =	vand.u32 $0x7FFFFFFF, v43  }
0x44: {  	v53 =	vld [tilespmem:$0x360];
	[tilespmem:$0xAE0] =	vst v50;
	v52 =	vsel vm7, $0x1, v0;
	vm8 =	veq.s32 v1, $0x0;
	v1 =	vand.u32 $0x7FFFFFFF, v45  }
0x45: {  	v55 =	vld [tilespmem:$0x370];
	[tilespmem:$0xAF0] =	vst v52;
	v54 =	vsel vm8, $0x1, v0;
	vm9 =	veq.s32 v1, $0x0;
	v1 =	vand.u32 $0x7FFFFFFF, v47  }
0x46: {  	[tilespmem:$0xB00] =	vst v54;
	v56 =	vsel vm9, $0x1, v0;
	vm10 =	veq.s32 v1, $0x0;
	v1 =	vand.u32 $0x7FFFFFFF, v2;
	v2 =	vld [tilespmem:$0x380]  }
0x47: {  	[tilespmem:$0xB10] =	vst v56;
	v57 =	vsel vm10, $0x1, v0;
	vm11 =	veq.s32 v1, $0x0;
	v1 =	vand.u32 $0x7FFFFFFF, v3;
	v3 =	vld [tilespmem:$0x390]  }
0x48: {  	v59 =	vld [tilespmem:$0x3A0];
	[tilespmem:$0xB20] =	vst v57;
	v58 =	vsel vm11, $0x1, v0;
	vm12 =	veq.s32 v1, $0x0;
	v1 =	vand.u32 $0x7FFFFFFF, v51  }
0x49: {  	v61 =	vld [tilespmem:$0x3B0];
	[tilespmem:$0xB30] =	vst v58;
	v60 =	vsel vm12, $0x1, v0;
	vm13 =	veq.s32 v1, $0x0;
	v1 =	vand.u32 $0x7FFFFFFF, v53  }
0x4a: {  	v63 =	vld [tilespmem:$0x3C0];
	[tilespmem:$0xB40] =	vst v60;
	v62 =	vsel vm13, $0x1, v0;
	vm14 =	veq.s32 v1, $0x0;
	v1 =	vand.u32 $0x7FFFFFFF, v55  }
0x4b: {  	[tilespmem:$0xB50] =	vst v62;
	v9 =	vsel vm14, $0x1, v0;
	vm15 =	veq.s32 v1, $0x0;
	v1 =	vand.u32 $0x7FFFFFFF, v2;
	v2 =	vld [tilespmem:$0x3D0]  }
0x4c: {  	[tilespmem:$0xB60] =	vst v9;
	v10 =	vsel vm15, $0x1, v0;
	vm4 =	veq.s32 v1, $0x0;
	v1 =	vand.u32 $0x7FFFFFFF, v3;
	v3 =	vld [tilespmem:$0x3E0]  }
0x4d: {  	v12 =	vld [tilespmem:$0x3F0];
	[tilespmem:$0xB70] =	vst v10;
	v11 =	vsel vm4, $0x1, v0;
	vm5 =	veq.s32 v1, $0x0;
	v1 =	vand.u32 $0x7FFFFFFF, v59  }
0x4e: {  	v14 =	vld [tilespmem:$0x400];
	[tilespmem:$0xB80] =	vst v11;
	v13 =	vsel vm5, $0x1, v0;
	vm6 =	veq.s32 v1, $0x0;
	v1 =	vand.u32 $0x7FFFFFFF, v61  }
0x4f: {  	v16 =	vld [tilespmem:$0x410];
	[tilespmem:$0xB90] =	vst v13;
	v15 =	vsel vm6, $0x1, v0;
	vm7 =	veq.s32 v1, $0x0;
	v1 =	vand.u32 $0x7FFFFFFF, v63  }
0x50: {  	[tilespmem:$0xBA0] =	vst v15;
	v17 =	vsel vm7, $0x1, v0;
	vm8 =	veq.s32 v1, $0x0;
	v1 =	vand.u32 $0x7FFFFFFF, v2;
	v2 =	vld [tilespmem:$0x420]  }
0x51: {  	[tilespmem:$0xBB0] =	vst v17;
	v18 =	vsel vm8, $0x1, v0;
	vm9 =	veq.s32 v1, $0x0;
	v1 =	vand.u32 $0x7FFFFFFF, v3;
	v3 =	vld [tilespmem:$0x430]  }
0x52: {  	v20 =	vld [tilespmem:$0x440];
	[tilespmem:$0xBC0] =	vst v18;
	v19 =	vsel vm9, $0x1, v0;
	vm10 =	veq.s32 v1, $0x0;
	v1 =	vand.u32 $0x7FFFFFFF, v12  }
0x53: {  	v22 =	vld [tilespmem:$0x450];
	[tilespmem:$0xBD0] =	vst v19;
	v21 =	vsel vm10, $0x1, v0;
	vm11 =	veq.s32 v1, $0x0;
	v1 =	vand.u32 $0x7FFFFFFF, v14  }
0x54: {  	v24 =	vld [tilespmem:$0x460];
	[tilespmem:$0xBE0] =	vst v21;
	v23 =	vsel vm11, $0x1, v0;
	vm12 =	veq.s32 v1, $0x0;
	v1 =	vand.u32 $0x7FFFFFFF, v16  }
0x55: {  	[tilespmem:$0xBF0] =	vst v23;
	v25 =	vsel vm12, $0x1, v0;
	vm13 =	veq.s32 v1, $0x0;
	v1 =	vand.u32 $0x7FFFFFFF, v2;
	v2 =	vld [tilespmem:$0x470]  }
0x56: {  	[tilespmem:$0xC00] =	vst v25;
	v26 =	vsel vm13, $0x1, v0;
	vm14 =	veq.s32 v1, $0x0;
	v1 =	vand.u32 $0x7FFFFFFF, v3;
	v3 =	vld [tilespmem:$0x480]  }
0x57: {  	v28 =	vld [tilespmem:$0x490];
	[tilespmem:$0xC10] =	vst v26;
	v27 =	vsel vm14, $0x1, v0;
	vm15 =	veq.s32 v1, $0x0;
	v1 =	vand.u32 $0x7FFFFFFF, v20  }
0x58: {  	v30 =	vld [tilespmem:$0x4A0];
	[tilespmem:$0xC20] =	vst v27;
	v29 =	vsel vm15, $0x1, v0;
	vm4 =	veq.s32 v1, $0x0;
	v1 =	vand.u32 $0x7FFFFFFF, v22  }
0x59: {  	v32 =	vld [tilespmem:$0x4B0];
	[tilespmem:$0xC30] =	vst v29;
	v31 =	vsel vm4, $0x1, v0;
	vm5 =	veq.s32 v1, $0x0;
	v1 =	vand.u32 $0x7FFFFFFF, v24  }
0x5a: {  	[tilespmem:$0xC40] =	vst v31;
	v33 =	vsel vm5, $0x1, v0;
	vm6 =	veq.s32 v1, $0x0;
	v1 =	vand.u32 $0x7FFFFFFF, v2;
	v2 =	vld [tilespmem:$0x4C0]  }
0x5b: {  	[tilespmem:$0xC50] =	vst v33;
	v34 =	vsel vm6, $0x1, v0;
	vm7 =	veq.s32 v1, $0x0;
	v1 =	vand.u32 $0x7FFFFFFF, v3;
	v3 =	vld [tilespmem:$0x4D0]  }
0x5c: {  	v36 =	vld [tilespmem:$0x4E0];
	[tilespmem:$0xC60] =	vst v34;
	v35 =	vsel vm7, $0x1, v0;
	vm8 =	veq.s32 v1, $0x0;
	v1 =	vand.u32 $0x7FFFFFFF, v28  }
0x5d: {  	v38 =	vld [tilespmem:$0x4F0];
	[tilespmem:$0xC70] =	vst v35;
	v37 =	vsel vm8, $0x1, v0;
	vm9 =	veq.s32 v1, $0x0;
	v1 =	vand.u32 $0x7FFFFFFF, v30  }
0x5e: {  	v40 =	vld [tilespmem:$0x500];
	[tilespmem:$0xC80] =	vst v37;
	v39 =	vsel vm9, $0x1, v0;
	vm10 =	veq.s32 v1, $0x0;
	v1 =	vand.u32 $0x7FFFFFFF, v32  }
0x5f: {  	[tilespmem:$0xC90] =	vst v39;
	v41 =	vsel vm10, $0x1, v0;
	vm11 =	veq.s32 v1, $0x0;
	v1 =	vand.u32 $0x7FFFFFFF, v2;
	v2 =	vld [tilespmem:$0x510]  }
0x60: {  	[tilespmem:$0xCA0] =	vst v41;
	v42 =	vsel vm11, $0x1, v0;
	vm12 =	veq.s32 v1, $0x0;
	v1 =	vand.u32 $0x7FFFFFFF, v3;
	v3 =	vld [tilespmem:$0x520]  }
0x61: {  	v44 =	vld [tilespmem:$0x530];
	[tilespmem:$0xCB0] =	vst v42;
	v43 =	vsel vm12, $0x1, v0;
	vm13 =	veq.s32 v1, $0x0;
	v1 =	vand.u32 $0x7FFFFFFF, v36  }
0x62: {  	v46 =	vld [tilespmem:$0x540];
	[tilespmem:$0xCC0] =	vst v43;
	v45 =	vsel vm13, $0x1, v0;
	vm14 =	veq.s32 v1, $0x0;
	v1 =	vand.u32 $0x7FFFFFFF, v38  }
0x63: {  	v48 =	vld [tilespmem:$0x550];
	[tilespmem:$0xCD0] =	vst v45;
	v47 =	vsel vm14, $0x1, v0;
	vm15 =	veq.s32 v1, $0x0;
	v1 =	vand.u32 $0x7FFFFFFF, v40  }
0x64: {  	[tilespmem:$0xCE0] =	vst v47;
	v49 =	vsel vm15, $0x1, v0;
	vm4 =	veq.s32 v1, $0x0;
	v1 =	vand.u32 $0x7FFFFFFF, v2;
	v2 =	vld [tilespmem:$0x560]  }
0x65: {  	[tilespmem:$0xCF0] =	vst v49;
	v50 =	vsel vm4, $0x1, v0;
	vm5 =	veq.s32 v1, $0x0;
	v1 =	vand.u32 $0x7FFFFFFF, v3;
	v3 =	vld [tilespmem:$0x570]  }
0x66: {  	v52 =	vld [tilespmem:$0x580];
	[tilespmem:$0xD00] =	vst v50;
	v51 =	vsel vm5, $0x1, v0;
	vm6 =	veq.s32 v1, $0x0;
	v1 =	vand.u32 $0x7FFFFFFF, v44  }
0x67: {  	v54 =	vld [tilespmem:$0x590];
	[tilespmem:$0xD10] =	vst v51;
	v53 =	vsel vm6, $0x1, v0;
	vm7 =	veq.s32 v1, $0x0;
	v1 =	vand.u32 $0x7FFFFFFF, v46  }
0x68: {  	v56 =	vld [tilespmem:$0x5A0];
	[tilespmem:$0xD20] =	vst v53;
	v55 =	vsel vm7, $0x1, v0;
	vm8 =	veq.s32 v1, $0x0;
	v1 =	vand.u32 $0x7FFFFFFF, v48  }
0x69: {  	[tilespmem:$0xD30] =	vst v55;
	v57 =	vsel vm8, $0x1, v0;
	vm9 =	veq.s32 v1, $0x0;
	v1 =	vand.u32 $0x7FFFFFFF, v2;
	v2 =	vld [tilespmem:$0x5B0]  }
0x6a: {  	[tilespmem:$0xD40] =	vst v57;
	v58 =	vsel vm9, $0x1, v0;
	vm10 =	veq.s32 v1, $0x0;
	v1 =	vand.u32 $0x7FFFFFFF, v3;
	v3 =	vld [tilespmem:$0x5C0]  }
0x6b: {  	v60 =	vld [tilespmem:$0x5D0];
	[tilespmem:$0xD50] =	vst v58;
	v59 =	vsel vm10, $0x1, v0;
	vm11 =	veq.s32 v1, $0x0;
	v1 =	vand.u32 $0x7FFFFFFF, v52  }
0x6c: {  	v62 =	vld [tilespmem:$0x5E0];
	[tilespmem:$0xD60] =	vst v59;
	v61 =	vsel vm11, $0x1, v0;
	vm12 =	veq.s32 v1, $0x0;
	v1 =	vand.u32 $0x7FFFFFFF, v54  }
0x6d: {  	v9 =	vld [tilespmem:$0x5F0];
	[tilespmem:$0xD70] =	vst v61;
	v63 =	vsel vm12, $0x1, v0;
	vm13 =	veq.s32 v1, $0x0;
	v1 =	vand.u32 $0x7FFFFFFF, v56  }
0x6e: {  	[tilespmem:$0xD80] =	vst v63;
	v10 =	vsel vm13, $0x1, v0;
	vm14 =	veq.s32 v1, $0x0;
	v1 =	vand.u32 $0x7FFFFFFF, v2;
	v2 =	vld [tilespmem:$0x600]  }
0x6f: {  	[tilespmem:$0xD90] =	vst v10;
	v11 =	vsel vm14, $0x1, v0;
	vm15 =	veq.s32 v1, $0x0;
	v1 =	vand.u32 $0x7FFFFFFF, v3;
	v3 =	vld [tilespmem:$0x610]  }
0x70: {  	v13 =	vld [tilespmem:$0x620];
	[tilespmem:$0xDA0] =	vst v11;
	v12 =	vsel vm15, $0x1, v0;
	vm4 =	veq.s32 v1, $0x0;
	v1 =	vand.u32 $0x7FFFFFFF, v60  }
0x71: {  	v15 =	vld [tilespmem:$0x630];
	[tilespmem:$0xDB0] =	vst v12;
	v14 =	vsel vm4, $0x1, v0;
	vm5 =	veq.s32 v1, $0x0;
	v1 =	vand.u32 $0x7FFFFFFF, v62  }
0x72: {  	v17 =	vld [tilespmem:$0x640];
	[tilespmem:$0xDC0] =	vst v14;
	v16 =	vsel vm5, $0x1, v0;
	vm6 =	veq.s32 v1, $0x0;
	v1 =	vand.u32 $0x7FFFFFFF, v9  }
0x73: {  	[tilespmem:$0xDD0] =	vst v16;
	v18 =	vsel vm6, $0x1, v0;
	vm7 =	veq.s32 v1, $0x0;
	v1 =	vand.u32 $0x7FFFFFFF, v2;
	v2 =	vld [tilespmem:$0x650]  }
0x74: {  	[tilespmem:$0xDE0] =	vst v18;
	v19 =	vsel vm7, $0x1, v0;
	vm8 =	veq.s32 v1, $0x0;
	v1 =	vand.u32 $0x7FFFFFFF, v3;
	v3 =	vld [tilespmem:$0x660]  }
0x75: {  	v21 =	vld [tilespmem:$0x670];
	[tilespmem:$0xDF0] =	vst v19;
	v20 =	vsel vm8, $0x1, v0;
	vm9 =	veq.s32 v1, $0x0;
	v1 =	vand.u32 $0x7FFFFFFF, v13  }
0x76: {  	v23 =	vld [tilespmem:$0x680];
	[tilespmem:$0xE00] =	vst v20;
	v22 =	vsel vm9, $0x1, v0;
	vm10 =	veq.s32 v1, $0x0;
	v1 =	vand.u32 $0x7FFFFFFF, v15  }
0x77: {  	v25 =	vld [tilespmem:$0x690];
	[tilespmem:$0xE10] =	vst v22;
	v24 =	vsel vm10, $0x1, v0;
	vm11 =	veq.s32 v1, $0x0;
	v1 =	vand.u32 $0x7FFFFFFF, v17  }
0x78: {  	[tilespmem:$0xE20] =	vst v24;
	v26 =	vsel vm11, $0x1, v0;
	vm12 =	veq.s32 v1, $0x0;
	v1 =	vand.u32 $0x7FFFFFFF, v2;
	v2 =	vld [tilespmem:$0x6A0]  }
0x79: {  	[tilespmem:$0xE30] =	vst v26;
	v27 =	vsel vm12, $0x1, v0;
	vm13 =	veq.s32 v1, $0x0;
	v1 =	vand.u32 $0x7FFFFFFF, v3;
	v3 =	vld [tilespmem:$0x6B0]  }
0x7a: {  	v29 =	vld [tilespmem:$0x6C0];
	[tilespmem:$0xE40] =	vst v27;
	v28 =	vsel vm13, $0x1, v0;
	vm14 =	veq.s32 v1, $0x0;
	v1 =	vand.u32 $0x7FFFFFFF, v21  }
0x7b: {  	v31 =	vld [tilespmem:$0x6D0];
	[tilespmem:$0xE50] =	vst v28;
	v30 =	vsel vm14, $0x1, v0;
	vm15 =	veq.s32 v1, $0x0;
	v1 =	vand.u32 $0x7FFFFFFF, v23  }
0x7c: {  	v33 =	vld [tilespmem:$0x6E0];
	[tilespmem:$0xE60] =	vst v30;
	v32 =	vsel vm15, $0x1, v0;
	vm4 =	veq.s32 v1, $0x0;
	v1 =	vand.u32 $0x7FFFFFFF, v25  }
0x7d: {  	[tilespmem:$0xE70] =	vst v32;
	v34 =	vsel vm4, $0x1, v0;
	vm5 =	veq.s32 v1, $0x0;
	v1 =	vand.u32 $0x7FFFFFFF, v2;
	v2 =	vld [tilespmem:$0x6F0]  }
0x7e: {  	[tilespmem:$0xE80] =	vst v34;
	v35 =	vsel vm5, $0x1, v0;
	vm6 =	veq.s32 v1, $0x0;
	v1 =	vand.u32 $0x7FFFFFFF, v3;
	v3 =	vld [tilespmem:$0x700]  }
0x7f: {  	v37 =	vld [tilespmem:$0x710];
	[tilespmem:$0xE90] =	vst v35;
	v36 =	vsel vm6, $0x1, v0;
	vm7 =	veq.s32 v1, $0x0;
	v1 =	vand.u32 $0x7FFFFFFF, v29  }
0x80: {  	v39 =	vld [tilespmem:$0x720];
	[tilespmem:$0xEA0] =	vst v36;
	v38 =	vsel vm7, $0x1, v0;
	vm8 =	veq.s32 v1, $0x0;
	v1 =	vand.u32 $0x7FFFFFFF, v31  }
0x81: {  	v41 =	vld [tilespmem:$0x730];
	[tilespmem:$0xEB0] =	vst v38;
	v40 =	vsel vm8, $0x1, v0;
	vm9 =	veq.s32 v1, $0x0;
	v1 =	vand.u32 $0x7FFFFFFF, v33  }
0x82: {  	[tilespmem:$0xEC0] =	vst v40;
	v42 =	vsel vm9, $0x1, v0;
	vm10 =	veq.s32 v1, $0x0;
	v1 =	vand.u32 $0x7FFFFFFF, v2;
	v2 =	vld [tilespmem:$0x740]  }
0x83: {  	[tilespmem:$0xED0] =	vst v42;
	v43 =	vsel vm10, $0x1, v0;
	vm11 =	veq.s32 v1, $0x0;
	v1 =	vand.u32 $0x7FFFFFFF, v3;
	v3 =	vld [tilespmem:$0x750]  }
0x84: {  	v45 =	vld [tilespmem:$0x760];
	[tilespmem:$0xEE0] =	vst v43;
	v44 =	vsel vm11, $0x1, v0;
	vm12 =	veq.s32 v1, $0x0;
	v1 =	vand.u32 $0x7FFFFFFF, v37  }
0x85: {  	v47 =	vld [tilespmem:$0x770];
	[tilespmem:$0xEF0] =	vst v44;
	v46 =	vsel vm12, $0x1, v0;
	vm13 =	veq.s32 v1, $0x0;
	v1 =	vand.u32 $0x7FFFFFFF, v39  }
0x86: {  	v49 =	vld [tilespmem:$0x780];
	[tilespmem:$0xF00] =	vst v46;
	v48 =	vsel vm13, $0x1, v0;
	vm14 =	veq.s32 v1, $0x0;
	v1 =	vand.u32 $0x7FFFFFFF, v41  }
0x87: {  	[tilespmem:$0xF10] =	vst v48;
	v50 =	vsel vm14, $0x1, v0;
	vm15 =	veq.s32 v1, $0x0;
	v1 =	vand.u32 $0x7FFFFFFF, v2;
	v2 =	vld [tilespmem:$0x790]  }
0x88: {  	[tilespmem:$0xF20] =	vst v50;
	v51 =	vsel vm15, $0x1, v0;
	vm4 =	veq.s32 v1, $0x0;
	v1 =	vand.u32 $0x7FFFFFFF, v3;
	v3 =	vld [tilespmem:$0x7A0]  }
0x89: {  	v53 =	vld [tilespmem:$0x7B0];
	[tilespmem:$0xF30] =	vst v51;
	v52 =	vsel vm4, $0x1, v0;
	vm5 =	veq.s32 v1, $0x0;
	v1 =	vand.u32 $0x7FFFFFFF, v45  }
0x8a: {  	v55 =	vld [tilespmem:$0x7C0];
	[tilespmem:$0xF40] =	vst v52;
	v54 =	vsel vm5, $0x1, v0;
	vm6 =	veq.s32 v1, $0x0;
	v1 =	vand.u32 $0x7FFFFFFF, v47  }
0x8b: {  	v57 =	vld [tilespmem:$0x7D0];
	[tilespmem:$0xF50] =	vst v54;
	v56 =	vsel vm6, $0x1, v0;
	vm7 =	veq.s32 v1, $0x0;
	v1 =	vand.u32 $0x7FFFFFFF, v49  }
0x8c: {  	[tilespmem:$0xF60] =	vst v56;
	v58 =	vsel vm7, $0x1, v0;
	vm8 =	veq.s32 v1, $0x0;
	v1 =	vand.u32 $0x7FFFFFFF, v2;
	v2 =	vld [tilespmem:$0x7E0]  }
0x8d: {  	[tilespmem:$0xF70] =	vst v58;
	v59 =	vsel vm8, $0x1, v0;
	vm9 =	veq.s32 v1, $0x0;
	v1 =	vand.u32 $0x7FFFFFFF, v3;
	v3 =	vld [tilespmem:$0x7F0]  }
0x8e: {  	[tilespmem:$0xF80] =	vst v59;
	v60 =	vsel vm9, $0x1, v0;
	vm10 =	veq.s32 v1, $0x0;
	v1 =	vand.u32 $0x7FFFFFFF, v53  }
0x8f: {  	[tilespmem:$0xF90] =	vst v60;
	v61 =	vsel vm10, $0x1, v0;
	vm11 =	veq.s32 v1, $0x0;
	v1 =	vand.u32 $0x7FFFFFFF, v55  }
0x90: {  	[tilespmem:$0xFA0] =	vst v61;
	v62 =	vsel vm11, $0x1, v0;
	vm12 =	veq.s32 v1, $0x0;
	v1 =	vand.u32 $0x7FFFFFFF, v57  }
0x91: {  	[tilespmem:$0xFB0] =	vst v62;
	v63 =	vsel vm12, $0x1, v0;
	vm13 =	veq.s32 v1, $0x0;
	v1 =	vand.u32 $0x7FFFFFFF, v2  }
0x92: {  	[tilespmem:$0xFC0] =	vst v63;
	v2 =	vsel vm13, $0x1, v0;
	vm14 =	veq.s32 v1, $0x0;
	v1 =	vand.u32 $0x7FFFFFFF, v3  }
0x93: {  	[tilespmem:$0xFD0] =	vst v2;
	v2 =	vsel vm14, $0x1, v0;
	vm15 =	veq.s32 v1, $0x0  }
0x94: {  	[tilespmem:$0xFE0] =	vst v2;
	v1 =	vsel vm15, $0x1, v0  }
0x95: {  	[tilespmem:$0xFF0] =	vst v1  }
0x96: {  	[hbm4b:s4+s2] =	stream.linear.scatter [tilespmem:s2], [sflag:$0x1], $0x800, $0x38;
	[tilespmem:$0x1000] =	vst v63  }
0x97: {  	_ =	swait.ge [sflag:s7], $0x800  }
0x98: {  	p0 =	sne.s32 s6, $0x1;
	[sflag:s7] =	ssyncset.done $0x0  }
.Ltmp0:
0x99: {  	[sflag:s7] =	ssyncadd.s32 $0xFFFFF800;
	(pc) =	sbr.rel @p0 .LBB2_1-.Ltmp0, $4  }
0x9a: {  	[hbm4b:s5+s2] =	stream.linear.scatter [tilespmem:s8], [sflag:$0x1], $0x800, $0x38;
	[tilespmem:$0x1000] =	vst v63  }
0x9b: {  	_ =	swait.ge [sflag:s7], $0x800  }
0x9c: {  	[sflag:s7] =	ssyncset.done $0x0  }
0x9d: {  	s6 =	sadd.s32 $0xFFFFFFFF, s6;
	[sflag:s7] =	ssyncadd.s32 $0xFFFFF800  }
0x9e: {  	_ =	sfence.sel $0x180000  }
0x9f: {  	[bflag:$0x0] =	sbarrier.arrive $0xFFFF  }
0xa0: {  	p0 =	sne.s32 s1, $0x0;
	_ =	strace $0x90000047  }
0xa1: {  	s0 =	sadd.s32 @!p0 $0x100000, s0;
	[bflag:$0x2] =	sbarrier.arrive $0xFFFF  }
0xa2: {  	[sflag:s0] =	ssyncadd.tile.s32 @!p0 $0x1;
	_ =	shalt  }
.Lfunc_end2:
_tile_overlayer_lowered:
.L_overlay_start_2:
0xa3: {  	(tag) =	ssettag $0x2  }
0xa4: {  	s0 =	rddreg [dreg:$0x0];
	s2 =	stileid.u32  }
0xa5: {  	s1 =	rddreg [dreg:$0x1];
	p0 =	sne.s32 s2, $0x0  }
0xa6: {  	s3 =	rddreg [dreg:$0x2];
	[bflag:$0x3] =	sbarrier.arrive $0xFFFF;
	s2 =	simm.s32 @!p0 $0x1C01  }
0xa7: {  	[timem:s3], [sflag:s2] =	dma.local @!p0 [hbm:s0], s1  }
0xa8: {  	s0 =	simm.s32 @!p0 $0x1  }
0xa9: {  	_ =	swait.ge @!p0 [sflag:s0], s1  }
0xaa: {  	s1 =	ssub.s32 @!p0 $0x0, s1;
	[sflag:s0] =	ssyncset.done @!p0 $0x0  }
0xab: {  	[sflag:s0] =	ssyncadd.s32 @!p0 s1  }
0xac: {  	[bflag:$0x3] =	sbarrier.arrive $0xFFFF  }
0xad: {  	_ =	shalt  }

</sc_bundles>
